<compile_context>
chip_gen: v7x
topology: tpu7x:2x2x1
jax: 0.10.2.dev20260603
libtpu: 0.0.44.dev20260713+nightly
codegen_flags: <defaults>
</compile_context>

<pallas_src>
import jax
import jax.numpy as jnp
from jax import lax
from jax.experimental import pallas as pl
from jax.experimental.pallas import tpu as pltpu
from jax.experimental.pallas import tpu_sc as plsc

NC = 2
NS = 16
NW = NC * NS
L = 16

B = 1024
R = 160
D = 128
BPW = B // NW
SLICE = 80
SPB = R // SLICE
NSL = BPW * SPB
DV = D // L
NRING = 4
K = 2


def _splat(x):
    return jnp.full((L,), x, jnp.int32)


def _body(tok_hbm, gid_hbm, table_hbm, known_hbm, w1t_hbm, b1_hbm, w2t_hbm,
          b2_hbm, br_hbm, out_hbm,
          idx_v, rows_v, w1t_v, w2t_v, known_v, b1_v, b2_v, gid_v,
          br_v, sums_v, h_v, gsem, ssem):
    w = lax.axis_index("s") * NC + lax.axis_index("c")
    pltpu.sync_copy(tok_hbm.at[w], idx_v)
    pltpu.sync_copy(gid_hbm.at[pl.ds(w * BPW, BPW)], gid_v)
    pltpu.sync_copy(known_hbm, known_v)
    pltpu.sync_copy(w1t_hbm, w1t_v)
    pltpu.sync_copy(w2t_hbm, w2t_v)
    pltpu.sync_copy(b1_hbm, b1_v)
    pltpu.sync_copy(b2_hbm, b2_v)
    pltpu.sync_copy(br_hbm, br_v)

    def fire(b):
        buf = b % NRING
        for h in range(SPB):
            pltpu.async_copy(table_hbm.at[idx_v.at[SPB * b + h]],
                             rows_v.at[buf, pl.ds(h * SLICE, SLICE)],
                             gsem.at[buf])

    for b in range(K):
        fire(b)

    @pl.loop(0, BPW)
    def _per_b(b):
        buf = b % NRING
        for h in range(SPB):
            pltpu.make_async_copy(table_hbm.at[idx_v.at[SPB * b + h]],
                                  rows_v.at[buf, pl.ds(h * SLICE, SLICE)],
                                  gsem.at[buf]).wait()

        zero = tuple(jnp.zeros((L,), jnp.float32) for _ in range(DV))

        def acc_row(r, carry):
            return tuple(carry[j] + rows_v[buf, r, pl.ds(j * L, L)]
                         for j in range(DV))

        acc = plsc.parallel_loop(0, R, unroll=4, carry=zero)(acc_row)
        for j in range(DV):
            sums_v[pl.ds(j * L, L)] = acc[j]

        def matvec_row(wref, sref, k, carry):
            mv = plsc.load_gather(sref, [_splat(k)])
            out = list(carry)
            for c in range(DV // 2):
                wi = wref[pl.ds(k * (D // 2) + c * L, L)]
                wv = plsc.bitcast(wi, jnp.bfloat16)
                lo, hi = plsc.unpack(wv, format=plsc.PackFormat.INTERLEAVED)
                out[2 * c] = out[2 * c] + mv * lo
                out[2 * c + 1] = out[2 * c + 1] + mv * hi
            return tuple(out)

        h1 = plsc.parallel_loop(0, D, unroll=4, carry=zero)(
            lambda k, c: matvec_row(w1t_v, sums_v, k, c))
        for j in range(DV):
            h_v[pl.ds(j * L, L)] = jnp.maximum(
                h1[j] + b1_v[pl.ds(j * L, L)], 0.0)

        h2 = plsc.parallel_loop(0, D, unroll=4, carry=zero)(
            lambda k, c: matvec_row(w2t_v, h_v, k, c))
        ratio = br_v[...]
        one_m_ratio = 1.0 - ratio
        col = lax.broadcasted_iota(jnp.int32, (L,), 0)
        gidx = plsc.load_gather(gid_v, [_splat(b)])
        te = []
        for j in range(DV):
            infer = h2[j] + b2_v[pl.ds(j * L, L)]
            known = plsc.load_gather(known_v, [gidx, col + j * L])
            te.append((known * one_m_ratio + infer) * ratio)

        @pl.when(b + K < BPW)
        def _():
            nxt = b + K

            @pl.when(nxt >= NRING)
            def _():
                prev = nxt - NRING
                pltpu.make_async_copy(
                    rows_v.at[prev % NRING],
                    out_hbm.at[pl.ds((w * BPW + prev) * R, R)],
                    ssem.at[prev % NRING]).wait()

            fire(nxt)

        @plsc.parallel_loop(0, R, unroll=4)
        def _add_row(r):
            for j in range(DV):
                rows_v[buf, r, pl.ds(j * L, L)] = (
                    rows_v[buf, r, pl.ds(j * L, L)] + te[j])
        pltpu.async_copy(rows_v.at[buf],
                         out_hbm.at[pl.ds((w * BPW + b) * R, R)],
                         ssem.at[buf])

    for d in range(NRING):
        b = BPW - NRING + d
        pltpu.make_async_copy(rows_v.at[b % NRING],
                              out_hbm.at[pl.ds((w * BPW + b) * R, R)],
                              ssem.at[b % NRING]).wait()


def kernel(obs_tokens, game_ids, token_table, known_table, W1, b1, W2, b2,
           blend_ratio):
    Bh, Th, Kh = obs_tokens.shape
    tok = obs_tokens.reshape(NW, NSL, SLICE)
    known_pad = jnp.zeros((64, D), jnp.float32).at[:known_table.shape[0]].set(
        known_table)

    def _ileave(wt):
        ilv = (wt.reshape(D, DV // 2, 2, L).transpose(0, 1, 3, 2)
               .reshape(D * D).astype(jnp.bfloat16))
        return lax.bitcast_convert_type(ilv.reshape(D * D // 2, 2),
                                        jnp.int32)

    w1t = _ileave(W1.T * (1.0 / R))
    w2t = _ileave(W2.T)
    br16 = jnp.full((L,), blend_ratio, jnp.float32)

    mesh = plsc.VectorSubcoreMesh(core_axis_name="c", subcore_axis_name="s",
                                  num_cores=NC, num_subcores=NS)

    fused = pl.kernel(
        _body,
        out_type=jax.ShapeDtypeStruct((B * R, D), jnp.float32),
        mesh=mesh,
        compiler_params=pltpu.CompilerParams(needs_layout_passes=False),
        scratch_types=[
            pltpu.VMEM((NSL, SLICE), jnp.int32),
            pltpu.VMEM((NRING, R, D), jnp.float32),
            pltpu.VMEM((D * D // 2,), jnp.int32),
            pltpu.VMEM((D * D // 2,), jnp.int32),
            pltpu.VMEM((64, D), jnp.float32),
            pltpu.VMEM((D,), jnp.float32),
            pltpu.VMEM((D,), jnp.float32),
            pltpu.VMEM((BPW,), jnp.int32),
            pltpu.VMEM((L,), jnp.float32),
            pltpu.VMEM((D,), jnp.float32),
            pltpu.VMEM((D,), jnp.float32),
            pltpu.SemaphoreType.DMA((NRING,)),
            pltpu.SemaphoreType.DMA((NRING,)),
        ],
    )
    out = fused(tok, game_ids, token_table, known_pad, w1t, b1, w2t, b2,
                br16)
    return out.reshape(Bh, Th * Kh, D)

# --- scband reference (transcript-rebuilt; emitter-appended) ---
"""Pipeline reference for scband-task-embed-91190745629180 (READ-ONLY COPY).

The authoritative reference and input builder live on the scoring server;
editing this copy changes nothing except your own understanding.
"""

import jax, jax.numpy as jnp
import numpy as np

NUM_KNOWN = 50
TOKEN_VOCAB = 100000
EMBED_DIM = 128
FEATURE_DIM = 128
B, T, K = 1024, 20, 8


def setup_inputs(seed: int = 0) -> dict:
    key = jax.random.key(seed)
    ks = jax.random.split(key, 10)
    obs_tokens = jax.random.randint(ks[0], (B, T, K), 0, TOKEN_VOCAB, dtype=jnp.int64 if jax.config.jax_enable_x64 else jnp.int32).astype(jnp.int32)
    game_ids = jax.random.randint(ks[1], (B,), 0, NUM_KNOWN, dtype=jnp.int32)
    known_table = jax.random.normal(ks[2], (NUM_KNOWN + 5, EMBED_DIM), dtype=jnp.float32)
    token_table = jax.random.normal(ks[3], (TOKEN_VOCAB, FEATURE_DIM), dtype=jnp.float32)
    W1 = jax.random.normal(ks[4], (EMBED_DIM, FEATURE_DIM), dtype=jnp.float32) * (1.0 / np.sqrt(FEATURE_DIM))
    b1 = jnp.zeros((EMBED_DIM,), dtype=jnp.float32)
    W2 = jax.random.normal(ks[5], (EMBED_DIM, EMBED_DIM), dtype=jnp.float32) * (1.0 / np.sqrt(EMBED_DIM))
    b2 = jnp.zeros((EMBED_DIM,), dtype=jnp.float32)
    blend_ratio = jnp.asarray(0.5, dtype=jnp.float32)
    return {"obs_tokens": obs_tokens, "game_ids": game_ids, "token_table": token_table,
            "known_table": known_table, "W1": W1, "b1": b1, "W2": W2, "b2": b2,
            "blend_ratio": blend_ratio}


def reference(obs_tokens, game_ids, token_table, known_table, W1, b1, W2, b2, blend_ratio):
    Bh, Th, Kh = obs_tokens.shape
    obs_tokens_flat = obs_tokens.reshape(Bh, Th * Kh)
    # embedding lookup (gather)
    obs_embed = jnp.take(token_table, obs_tokens_flat, axis=0)  # (B, T*K, feature_dim)
    obs_embed_flat = obs_embed.mean(axis=1)  # (B, feature_dim)
    # infer_mlp: Linear -> ReLU -> Linear
    h = obs_embed_flat @ W1.T + b1
    h = jax.nn.relu(h)
    infer_task_embed = h @ W2.T + b2  # (B, embed_dim)
    # known path
    known_task_embed = jnp.take(known_table, game_ids, axis=0)  # (B, embed_dim)
    task_embed = (known_task_embed * (1.0 - blend_ratio) + infer_task_embed) * blend_ratio
    # broadcast-add task embedding across all T*K positions (equivalent to repeat+add)
    obs_embed_with_task = obs_embed + task_embed[:, None, :]
    return obs_embed_with_task

if __name__ == "__main__":
    import jax
    _d = setup_inputs()
    print(jax.jit(kernel)(*tuple(_d.values())))

</pallas_src>

<mosaic_0001>
#map = affine_map<(d0, d1) -> (0, 0, 0)>
#map1 = affine_map<(d0, d1) -> (0)>
#map2 = affine_map<(d0, d1) -> (0, 0)>
module attributes {stable_mosaic.version = 14 : i64} {
  func.func @_body(%arg0: i32, %arg1: i32, %arg2: memref<32x64x80xi32, #tpu.memory_space<hbm>>, %arg3: memref<1024xi32, #tpu.memory_space<hbm>>, %arg4: memref<100000x128xf32, #tpu.memory_space<hbm>>, %arg5: memref<64x128xf32, #tpu.memory_space<hbm>>, %arg6: memref<8192xi32, #tpu.memory_space<hbm>>, %arg7: memref<128xf32, #tpu.memory_space<hbm>>, %arg8: memref<8192xi32, #tpu.memory_space<hbm>>, %arg9: memref<128xf32, #tpu.memory_space<hbm>>, %arg10: memref<16xf32, #tpu.memory_space<hbm>>, %arg11: memref<163840x128xf32, #tpu.memory_space<hbm>>, %arg12: memref<64x80xi32, #tpu.memory_space<vmem>>, %arg13: memref<4x160x128xf32, #tpu.memory_space<vmem>>, %arg14: memref<8192xi32, #tpu.memory_space<vmem>>, %arg15: memref<8192xi32, #tpu.memory_space<vmem>>, %arg16: memref<64x128xf32, #tpu.memory_space<vmem>>, %arg17: memref<128xf32, #tpu.memory_space<vmem>>, %arg18: memref<128xf32, #tpu.memory_space<vmem>>, %arg19: memref<32xi32, #tpu.memory_space<vmem>>, %arg20: memref<16xf32, #tpu.memory_space<vmem>>, %arg21: memref<128xf32, #tpu.memory_space<vmem>>, %arg22: memref<128xf32, #tpu.memory_space<vmem>>, %arg23: memref<4x!tpu.dma_semaphore, #tpu.memory_space<semaphore_mem>>, %arg24: memref<4x!tpu.dma_semaphore, #tpu.memory_space<semaphore_mem>>) attributes {dimension_semantics = [#tpu.dimension_semantics<core_parallel>, #tpu.dimension_semantics<subcore_parallel>], iteration_bounds = array<i64: 2, 16>, scalar_prefetch = 0 : i64, scratch_operands = 13 : i64, tpu.core_type = #tpu.core_type<sc_vector_subcore>, window_params = [{transform_indices = #map}, {transform_indices = #map1}, {transform_indices = #map2}, {transform_indices = #map2}, {transform_indices = #map1}, {transform_indices = #map1}, {transform_indices = #map1}, {transform_indices = #map1}, {transform_indices = #map1}, {transform_indices = #map2}]} {
    %mul3A = arith.constant 2 : i32
    %mul3A_0 = arith.muli %arg1, %mul3A : i32
    %add3A = arith.addi %mul3A_0, %arg0 : i32
    "tpu.region"() ({
      %run_scoped3A = tpu.sem_alloc : memref<!tpu.dma_semaphore, #tpu.memory_space<semaphore_mem>>
      %dma_start3A_333 = arith.constant 0 : i32
      %dma_start3A_334 = arith.constant 0 : i32
      %dma_start3A_335 = tpu.memref_slice %arg2[%add3A, %dma_start3A_333, %dma_start3A_334] : memref<32x64x80xi32, #tpu.memory_space<hbm>> -> memref<1x64x80xi32, #tpu.memory_space<hbm>>
      %dma_start3A_336 = tpu.memref_squeeze %dma_start3A_335 : memref<1x64x80xi32, #tpu.memory_space<hbm>> -> memref<64x80xi32, #tpu.memory_space<hbm>>
      %dma_start3A_337 = arith.constant 0 : i32
      %dma_start3A_338 = arith.constant 0 : i32
      %dma_start3A_339 = tpu.memref_slice %arg2[%add3A, %dma_start3A_337, %dma_start3A_338] : memref<32x64x80xi32, #tpu.memory_space<hbm>> -> memref<1x64x80xi32, #tpu.memory_space<hbm>>
      %dma_start3A_340 = tpu.memref_squeeze %dma_start3A_339 : memref<1x64x80xi32, #tpu.memory_space<hbm>> -> memref<64x80xi32, #tpu.memory_space<hbm>>
      tpu.enqueue_dma source(%dma_start3A_340 : memref<64x80xi32, #tpu.memory_space<hbm>>) target(%arg12 : memref<64x80xi32, #tpu.memory_space<vmem>>) target_semaphore(%run_scoped3A : memref<!tpu.dma_semaphore, #tpu.memory_space<semaphore_mem>>)
      %dma_wait3A_341 = arith.constant 0 : i32
      %dma_wait3A_342 = arith.constant 0 : i32
      %dma_wait3A_343 = tpu.memref_slice %arg2[%add3A, %dma_wait3A_341, %dma_wait3A_342] : memref<32x64x80xi32, #tpu.memory_space<hbm>> -> memref<1x64x80xi32, #tpu.memory_space<hbm>>
      %dma_wait3A_344 = tpu.memref_squeeze %dma_wait3A_343 : memref<1x64x80xi32, #tpu.memory_space<hbm>> -> memref<64x80xi32, #tpu.memory_space<hbm>>
      %dma_wait3A_345 = arith.constant 0 : i32
      %dma_wait3A_346 = arith.constant 0 : i32
      %dma_wait3A_347 = tpu.memref_slice %arg2[%add3A, %dma_wait3A_345, %dma_wait3A_346] : memref<32x64x80xi32, #tpu.memory_space<hbm>> -> memref<1x64x80xi32, #tpu.memory_space<hbm>>
      %dma_wait3A_348 = tpu.memref_squeeze %dma_wait3A_347 : memref<1x64x80xi32, #tpu.memory_space<hbm>> -> memref<64x80xi32, #tpu.memory_space<hbm>>
      tpu.wait_dma2 semaphore(%run_scoped3A : memref<!tpu.dma_semaphore, #tpu.memory_space<semaphore_mem>>) src(%dma_wait3A_348 : memref<64x80xi32, #tpu.memory_space<hbm>>) dst(%arg12 : memref<64x80xi32, #tpu.memory_space<vmem>>)
      tpu.yield
    }) : () -> ()
    %mul3A_1 = arith.constant 32 : i32
    %mul3A_2 = arith.muli %add3A, %mul3A_1 : i32
    "tpu.region"() ({
      %run_scoped3A = tpu.sem_alloc : memref<!tpu.dma_semaphore, #tpu.memory_space<semaphore_mem>>
      %dma_start3A_333 = tpu.memref_slice %arg3[%mul3A_2] : memref<1024xi32, #tpu.memory_space<hbm>> -> memref<32xi32, #tpu.memory_space<hbm>>
      %dma_start3A_334 = tpu.memref_slice %arg3[%mul3A_2] : memref<1024xi32, #tpu.memory_space<hbm>> -> memref<32xi32, #tpu.memory_space<hbm>>
      tpu.enqueue_dma source(%dma_start3A_334 : memref<32xi32, #tpu.memory_space<hbm>>) target(%arg19 : memref<32xi32, #tpu.memory_space<vmem>>) target_semaphore(%run_scoped3A : memref<!tpu.dma_semaphore, #tpu.memory_space<semaphore_mem>>)
      %dma_wait3A_335 = tpu.memref_slice %arg3[%mul3A_2] : memref<1024xi32, #tpu.memory_space<hbm>> -> memref<32xi32, #tpu.memory_space<hbm>>
      %dma_wait3A_336 = tpu.memref_slice %arg3[%mul3A_2] : memref<1024xi32, #tpu.memory_space<hbm>> -> memref<32xi32, #tpu.memory_space<hbm>>
      tpu.wait_dma2 semaphore(%run_scoped3A : memref<!tpu.dma_semaphore, #tpu.memory_space<semaphore_mem>>) src(%dma_wait3A_336 : memref<32xi32, #tpu.memory_space<hbm>>) dst(%arg19 : memref<32xi32, #tpu.memory_space<vmem>>)
      tpu.yield
    }) : () -> ()
    "tpu.region"() ({
      %run_scoped3A = tpu.sem_alloc : memref<!tpu.dma_semaphore, #tpu.memory_space<semaphore_mem>>
      tpu.enqueue_dma source(%arg5 : memref<64x128xf32, #tpu.memory_space<hbm>>) target(%arg16 : memref<64x128xf32, #tpu.memory_space<vmem>>) target_semaphore(%run_scoped3A : memref<!tpu.dma_semaphore, #tpu.memory_space<semaphore_mem>>)
      tpu.wait_dma2 semaphore(%run_scoped3A : memref<!tpu.dma_semaphore, #tpu.memory_space<semaphore_mem>>) src(%arg5 : memref<64x128xf32, #tpu.memory_space<hbm>>) dst(%arg16 : memref<64x128xf32, #tpu.memory_space<vmem>>)
      tpu.yield
    }) : () -> ()
    "tpu.region"() ({
      %run_scoped3A = tpu.sem_alloc : memref<!tpu.dma_semaphore, #tpu.memory_space<semaphore_mem>>
      tpu.enqueue_dma source(%arg6 : memref<8192xi32, #tpu.memory_space<hbm>>) target(%arg14 : memref<8192xi32, #tpu.memory_space<vmem>>) target_semaphore(%run_scoped3A : memref<!tpu.dma_semaphore, #tpu.memory_space<semaphore_mem>>)
      tpu.wait_dma2 semaphore(%run_scoped3A : memref<!tpu.dma_semaphore, #tpu.memory_space<semaphore_mem>>) src(%arg6 : memref<8192xi32, #tpu.memory_space<hbm>>) dst(%arg14 : memref<8192xi32, #tpu.memory_space<vmem>>)
      tpu.yield
    }) : () -> ()
    "tpu.region"() ({
      %run_scoped3A = tpu.sem_alloc : memref<!tpu.dma_semaphore, #tpu.memory_space<semaphore_mem>>
      tpu.enqueue_dma source(%arg8 : memref<8192xi32, #tpu.memory_space<hbm>>) target(%arg15 : memref<8192xi32, #tpu.memory_space<vmem>>) target_semaphore(%run_scoped3A : memref<!tpu.dma_semaphore, #tpu.memory_space<semaphore_mem>>)
      tpu.wait_dma2 semaphore(%run_scoped3A : memref<!tpu.dma_semaphore, #tpu.memory_space<semaphore_mem>>) src(%arg8 : memref<8192xi32, #tpu.memory_space<hbm>>) dst(%arg15 : memref<8192xi32, #tpu.memory_space<vmem>>)
      tpu.yield
    }) : () -> ()
    "tpu.region"() ({
      %run_scoped3A = tpu.sem_alloc : memref<!tpu.dma_semaphore, #tpu.memory_space<semaphore_mem>>
      tpu.enqueue_dma source(%arg7 : memref<128xf32, #tpu.memory_space<hbm>>) target(%arg17 : memref<128xf32, #tpu.memory_space<vmem>>) target_semaphore(%run_scoped3A : memref<!tpu.dma_semaphore, #tpu.memory_space<semaphore_mem>>)
      tpu.wait_dma2 semaphore(%run_scoped3A : memref<!tpu.dma_semaphore, #tpu.memory_space<semaphore_mem>>) src(%arg7 : memref<128xf32, #tpu.memory_space<hbm>>) dst(%arg17 : memref<128xf32, #tpu.memory_space<vmem>>)
      tpu.yield
    }) : () -> ()
    "tpu.region"() ({
      %run_scoped3A = tpu.sem_alloc : memref<!tpu.dma_semaphore, #tpu.memory_space<semaphore_mem>>
      tpu.enqueue_dma source(%arg9 : memref<128xf32, #tpu.memory_space<hbm>>) target(%arg18 : memref<128xf32, #tpu.memory_space<vmem>>) target_semaphore(%run_scoped3A : memref<!tpu.dma_semaphore, #tpu.memory_space<semaphore_mem>>)
      tpu.wait_dma2 semaphore(%run_scoped3A : memref<!tpu.dma_semaphore, #tpu.memory_space<semaphore_mem>>) src(%arg9 : memref<128xf32, #tpu.memory_space<hbm>>) dst(%arg18 : memref<128xf32, #tpu.memory_space<vmem>>)
      tpu.yield
    }) : () -> ()
    "tpu.region"() ({
      %run_scoped3A = tpu.sem_alloc : memref<!tpu.dma_semaphore, #tpu.memory_space<semaphore_mem>>
      tpu.enqueue_dma source(%arg10 : memref<16xf32, #tpu.memory_space<hbm>>) target(%arg20 : memref<16xf32, #tpu.memory_space<vmem>>) target_semaphore(%run_scoped3A : memref<!tpu.dma_semaphore, #tpu.memory_space<semaphore_mem>>)
      tpu.wait_dma2 semaphore(%run_scoped3A : memref<!tpu.dma_semaphore, #tpu.memory_space<semaphore_mem>>) src(%arg10 : memref<16xf32, #tpu.memory_space<hbm>>) dst(%arg20 : memref<16xf32, #tpu.memory_space<vmem>>)
      tpu.yield
    }) : () -> ()
    %dma_start3A = arith.constant 0 : i32
    %dma_start3A_3 = arith.constant 0 : i32
    %dma_start3A_4 = arith.constant 0 : i32
    %dma_start3A_5 = arith.constant 0 : i32
    %dma_start3A_6 = arith.constant 0 : i32
    %dma_start3A_7 = tpu.memref_slice %arg13[%dma_start3A_3, %dma_start3A_5, %dma_start3A_6] : memref<4x160x128xf32, #tpu.memory_space<vmem>> -> memref<1x80x128xf32, #tpu.memory_space<vmem>>
    %dma_start3A_8 = tpu.memref_squeeze %dma_start3A_7 : memref<1x80x128xf32, #tpu.memory_space<vmem>> -> memref<80x128xf32, #tpu.memory_space<vmem>>
    %dma_start3A_9 = arith.constant 0 : i32
    %dma_start3A_10 = tpu.memref_slice %arg12[%dma_start3A, %dma_start3A_9] : memref<64x80xi32, #tpu.memory_space<vmem>> -> memref<1x80xi32, #tpu.memory_space<vmem>>
    %dma_start3A_11 = tpu.memref_squeeze %dma_start3A_10 : memref<1x80xi32, #tpu.memory_space<vmem>> -> memref<80xi32, #tpu.memory_space<vmem>>
    %dma_start3A_12 = arith.constant 0 : i32
    %dma_start3A_13 = arith.constant 0 : i32
    %dma_start3A_14 = tpu.memref_slice %arg4[%dma_start3A_12, %dma_start3A_13] : memref<100000x128xf32, #tpu.memory_space<hbm>> -> memref<100000x128xf32, #tpu.memory_space<hbm>>
    %dma_start3A_15 = tpu.memref_slice %arg23[%dma_start3A_4] : memref<4x!tpu.dma_semaphore, #tpu.memory_space<semaphore_mem>> -> memref<1x!tpu.dma_semaphore, #tpu.memory_space<semaphore_mem>>
    %dma_start3A_16 = tpu.memref_squeeze %dma_start3A_15 : memref<1x!tpu.dma_semaphore, #tpu.memory_space<semaphore_mem>> -> memref<!tpu.dma_semaphore, #tpu.memory_space<semaphore_mem>>
    tpu.enqueue_indirect_dma source(%dma_start3A_14 : memref<100000x128xf32, #tpu.memory_space<hbm>>) target(%dma_start3A_8 : memref<80x128xf32, #tpu.memory_space<vmem>>) offsets(%dma_start3A_11 : memref<80xi32, #tpu.memory_space<vmem>>) semaphore(%dma_start3A_16 : memref<!tpu.dma_semaphore, #tpu.memory_space<semaphore_mem>>)
    %dma_start3A_17 = arith.constant 1 : i32
    %dma_start3A_18 = arith.constant 0 : i32
    %dma_start3A_19 = arith.constant 0 : i32
    %dma_start3A_20 = arith.constant 80 : i32
    %dma_start3A_21 = arith.constant 0 : i32
    %dma_start3A_22 = tpu.memref_slice %arg13[%dma_start3A_18, %dma_start3A_20, %dma_start3A_21] : memref<4x160x128xf32, #tpu.memory_space<vmem>> -> memref<1x80x128xf32, #tpu.memory_space<vmem>>
    %dma_start3A_23 = tpu.memref_squeeze %dma_start3A_22 : memref<1x80x128xf32, #tpu.memory_space<vmem>> -> memref<80x128xf32, #tpu.memory_space<vmem>>
    %dma_start3A_24 = arith.constant 0 : i32
    %dma_start3A_25 = tpu.memref_slice %arg12[%dma_start3A_17, %dma_start3A_24] : memref<64x80xi32, #tpu.memory_space<vmem>> -> memref<1x80xi32, #tpu.memory_space<vmem>>
    %dma_start3A_26 = tpu.memref_squeeze %dma_start3A_25 : memref<1x80xi32, #tpu.memory_space<vmem>> -> memref<80xi32, #tpu.memory_space<vmem>>
    %dma_start3A_27 = arith.constant 0 : i32
    %dma_start3A_28 = arith.constant 0 : i32
    %dma_start3A_29 = tpu.memref_slice %arg4[%dma_start3A_27, %dma_start3A_28] : memref<100000x128xf32, #tpu.memory_space<hbm>> -> memref<100000x128xf32, #tpu.memory_space<hbm>>
    %dma_start3A_30 = tpu.memref_slice %arg23[%dma_start3A_19] : memref<4x!tpu.dma_semaphore, #tpu.memory_space<semaphore_mem>> -> memref<1x!tpu.dma_semaphore, #tpu.memory_space<semaphore_mem>>
    %dma_start3A_31 = tpu.memref_squeeze %dma_start3A_30 : memref<1x!tpu.dma_semaphore, #tpu.memory_space<semaphore_mem>> -> memref<!tpu.dma_semaphore, #tpu.memory_space<semaphore_mem>>
    tpu.enqueue_indirect_dma source(%dma_start3A_29 : memref<100000x128xf32, #tpu.memory_space<hbm>>) target(%dma_start3A_23 : memref<80x128xf32, #tpu.memory_space<vmem>>) offsets(%dma_start3A_26 : memref<80xi32, #tpu.memory_space<vmem>>) semaphore(%dma_start3A_31 : memref<!tpu.dma_semaphore, #tpu.memory_space<semaphore_mem>>)
    %dma_start3A_32 = arith.constant 2 : i32
    %dma_start3A_33 = arith.constant 1 : i32
    %dma_start3A_34 = arith.constant 1 : i32
    %dma_start3A_35 = arith.constant 0 : i32
    %dma_start3A_36 = arith.constant 0 : i32
    %dma_start3A_37 = tpu.memref_slice %arg13[%dma_start3A_33, %dma_start3A_35, %dma_start3A_36] : memref<4x160x128xf32, #tpu.memory_space<vmem>> -> memref<1x80x128xf32, #tpu.memory_space<vmem>>
    %dma_start3A_38 = tpu.memref_squeeze %dma_start3A_37 : memref<1x80x128xf32, #tpu.memory_space<vmem>> -> memref<80x128xf32, #tpu.memory_space<vmem>>
    %dma_start3A_39 = arith.constant 0 : i32
    %dma_start3A_40 = tpu.memref_slice %arg12[%dma_start3A_32, %dma_start3A_39] : memref<64x80xi32, #tpu.memory_space<vmem>> -> memref<1x80xi32, #tpu.memory_space<vmem>>
    %dma_start3A_41 = tpu.memref_squeeze %dma_start3A_40 : memref<1x80xi32, #tpu.memory_space<vmem>> -> memref<80xi32, #tpu.memory_space<vmem>>
    %dma_start3A_42 = arith.constant 0 : i32
    %dma_start3A_43 = arith.constant 0 : i32
    %dma_start3A_44 = tpu.memref_slice %arg4[%dma_start3A_42, %dma_start3A_43] : memref<100000x128xf32, #tpu.memory_space<hbm>> -> memref<100000x128xf32, #tpu.memory_space<hbm>>
    %dma_start3A_45 = tpu.memref_slice %arg23[%dma_start3A_34] : memref<4x!tpu.dma_semaphore, #tpu.memory_space<semaphore_mem>> -> memref<1x!tpu.dma_semaphore, #tpu.memory_space<semaphore_mem>>
    %dma_start3A_46 = tpu.memref_squeeze %dma_start3A_45 : memref<1x!tpu.dma_semaphore, #tpu.memory_space<semaphore_mem>> -> memref<!tpu.dma_semaphore, #tpu.memory_space<semaphore_mem>>
    tpu.enqueue_indirect_dma source(%dma_start3A_44 : memref<100000x128xf32, #tpu.memory_space<hbm>>) target(%dma_start3A_38 : memref<80x128xf32, #tpu.memory_space<vmem>>) offsets(%dma_start3A_41 : memref<80xi32, #tpu.memory_space<vmem>>) semaphore(%dma_start3A_46 : memref<!tpu.dma_semaphore, #tpu.memory_space<semaphore_mem>>)
    %dma_start3A_47 = arith.constant 3 : i32
    %dma_start3A_48 = arith.constant 1 : i32
    %dma_start3A_49 = arith.constant 1 : i32
    %dma_start3A_50 = arith.constant 80 : i32
    %dma_start3A_51 = arith.constant 0 : i32
    %dma_start3A_52 = tpu.memref_slice %arg13[%dma_start3A_48, %dma_start3A_50, %dma_start3A_51] : memref<4x160x128xf32, #tpu.memory_space<vmem>> -> memref<1x80x128xf32, #tpu.memory_space<vmem>>
    %dma_start3A_53 = tpu.memref_squeeze %dma_start3A_52 : memref<1x80x128xf32, #tpu.memory_space<vmem>> -> memref<80x128xf32, #tpu.memory_space<vmem>>
    %dma_start3A_54 = arith.constant 0 : i32
    %dma_start3A_55 = tpu.memref_slice %arg12[%dma_start3A_47, %dma_start3A_54] : memref<64x80xi32, #tpu.memory_space<vmem>> -> memref<1x80xi32, #tpu.memory_space<vmem>>
    %dma_start3A_56 = tpu.memref_squeeze %dma_start3A_55 : memref<1x80xi32, #tpu.memory_space<vmem>> -> memref<80xi32, #tpu.memory_space<vmem>>
    %dma_start3A_57 = arith.constant 0 : i32
    %dma_start3A_58 = arith.constant 0 : i32
    %dma_start3A_59 = tpu.memref_slice %arg4[%dma_start3A_57, %dma_start3A_58] : memref<100000x128xf32, #tpu.memory_space<hbm>> -> memref<100000x128xf32, #tpu.memory_space<hbm>>
    %dma_start3A_60 = tpu.memref_slice %arg23[%dma_start3A_49] : memref<4x!tpu.dma_semaphore, #tpu.memory_space<semaphore_mem>> -> memref<1x!tpu.dma_semaphore, #tpu.memory_space<semaphore_mem>>
    %dma_start3A_61 = tpu.memref_squeeze %dma_start3A_60 : memref<1x!tpu.dma_semaphore, #tpu.memory_space<semaphore_mem>> -> memref<!tpu.dma_semaphore, #tpu.memory_space<semaphore_mem>>
    tpu.enqueue_indirect_dma source(%dma_start3A_59 : memref<100000x128xf32, #tpu.memory_space<hbm>>) target(%dma_start3A_53 : memref<80x128xf32, #tpu.memory_space<vmem>>) offsets(%dma_start3A_56 : memref<80xi32, #tpu.memory_space<vmem>>) semaphore(%dma_start3A_61 : memref<!tpu.dma_semaphore, #tpu.memory_space<semaphore_mem>>)
    %dma_start3A_62 = arith.constant 4 : i32
    %dma_start3A_63 = arith.constant 2 : i32
    %dma_start3A_64 = arith.constant 2 : i32
    %dma_start3A_65 = arith.constant 0 : i32
    %dma_start3A_66 = arith.constant 0 : i32
    %dma_start3A_67 = tpu.memref_slice %arg13[%dma_start3A_63, %dma_start3A_65, %dma_start3A_66] : memref<4x160x128xf32, #tpu.memory_space<vmem>> -> memref<1x80x128xf32, #tpu.memory_space<vmem>>
    %dma_start3A_68 = tpu.memref_squeeze %dma_start3A_67 : memref<1x80x128xf32, #tpu.memory_space<vmem>> -> memref<80x128xf32, #tpu.memory_space<vmem>>
    %dma_start3A_69 = arith.constant 0 : i32
    %dma_start3A_70 = tpu.memref_slice %arg12[%dma_start3A_62, %dma_start3A_69] : memref<64x80xi32, #tpu.memory_space<vmem>> -> memref<1x80xi32, #tpu.memory_space<vmem>>
    %dma_start3A_71 = tpu.memref_squeeze %dma_start3A_70 : memref<1x80xi32, #tpu.memory_space<vmem>> -> memref<80xi32, #tpu.memory_space<vmem>>
    %dma_start3A_72 = arith.constant 0 : i32
    %dma_start3A_73 = arith.constant 0 : i32
    %dma_start3A_74 = tpu.memref_slice %arg4[%dma_start3A_72, %dma_start3A_73] : memref<100000x128xf32, #tpu.memory_space<hbm>> -> memref<100000x128xf32, #tpu.memory_space<hbm>>
    %dma_start3A_75 = tpu.memref_slice %arg23[%dma_start3A_64] : memref<4x!tpu.dma_semaphore, #tpu.memory_space<semaphore_mem>> -> memref<1x!tpu.dma_semaphore, #tpu.memory_space<semaphore_mem>>
    %dma_start3A_76 = tpu.memref_squeeze %dma_start3A_75 : memref<1x!tpu.dma_semaphore, #tpu.memory_space<semaphore_mem>> -> memref<!tpu.dma_semaphore, #tpu.memory_space<semaphore_mem>>
    tpu.enqueue_indirect_dma source(%dma_start3A_74 : memref<100000x128xf32, #tpu.memory_space<hbm>>) target(%dma_start3A_68 : memref<80x128xf32, #tpu.memory_space<vmem>>) offsets(%dma_start3A_71 : memref<80xi32, #tpu.memory_space<vmem>>) semaphore(%dma_start3A_76 : memref<!tpu.dma_semaphore, #tpu.memory_space<semaphore_mem>>)
    %dma_start3A_77 = arith.constant 5 : i32
    %dma_start3A_78 = arith.constant 2 : i32
    %dma_start3A_79 = arith.constant 2 : i32
    %dma_start3A_80 = arith.constant 80 : i32
    %dma_start3A_81 = arith.constant 0 : i32
    %dma_start3A_82 = tpu.memref_slice %arg13[%dma_start3A_78, %dma_start3A_80, %dma_start3A_81] : memref<4x160x128xf32, #tpu.memory_space<vmem>> -> memref<1x80x128xf32, #tpu.memory_space<vmem>>
    %dma_start3A_83 = tpu.memref_squeeze %dma_start3A_82 : memref<1x80x128xf32, #tpu.memory_space<vmem>> -> memref<80x128xf32, #tpu.memory_space<vmem>>
    %dma_start3A_84 = arith.constant 0 : i32
    %dma_start3A_85 = tpu.memref_slice %arg12[%dma_start3A_77, %dma_start3A_84] : memref<64x80xi32, #tpu.memory_space<vmem>> -> memref<1x80xi32, #tpu.memory_space<vmem>>
    %dma_start3A_86 = tpu.memref_squeeze %dma_start3A_85 : memref<1x80xi32, #tpu.memory_space<vmem>> -> memref<80xi32, #tpu.memory_space<vmem>>
    %dma_start3A_87 = arith.constant 0 : i32
    %dma_start3A_88 = arith.constant 0 : i32
    %dma_start3A_89 = tpu.memref_slice %arg4[%dma_start3A_87, %dma_start3A_88] : memref<100000x128xf32, #tpu.memory_space<hbm>> -> memref<100000x128xf32, #tpu.memory_space<hbm>>
    %dma_start3A_90 = tpu.memref_slice %arg23[%dma_start3A_79] : memref<4x!tpu.dma_semaphore, #tpu.memory_space<semaphore_mem>> -> memref<1x!tpu.dma_semaphore, #tpu.memory_space<semaphore_mem>>
    %dma_start3A_91 = tpu.memref_squeeze %dma_start3A_90 : memref<1x!tpu.dma_semaphore, #tpu.memory_space<semaphore_mem>> -> memref<!tpu.dma_semaphore, #tpu.memory_space<semaphore_mem>>
    tpu.enqueue_indirect_dma source(%dma_start3A_89 : memref<100000x128xf32, #tpu.memory_space<hbm>>) target(%dma_start3A_83 : memref<80x128xf32, #tpu.memory_space<vmem>>) offsets(%dma_start3A_86 : memref<80xi32, #tpu.memory_space<vmem>>) semaphore(%dma_start3A_91 : memref<!tpu.dma_semaphore, #tpu.memory_space<semaphore_mem>>)
    %dma_start3A_92 = arith.constant 6 : i32
    %dma_start3A_93 = arith.constant 3 : i32
    %dma_start3A_94 = arith.constant 3 : i32
    %dma_start3A_95 = arith.constant 0 : i32
    %dma_start3A_96 = arith.constant 0 : i32
    %dma_start3A_97 = tpu.memref_slice %arg13[%dma_start3A_93, %dma_start3A_95, %dma_start3A_96] : memref<4x160x128xf32, #tpu.memory_space<vmem>> -> memref<1x80x128xf32, #tpu.memory_space<vmem>>
    %dma_start3A_98 = tpu.memref_squeeze %dma_start3A_97 : memref<1x80x128xf32, #tpu.memory_space<vmem>> -> memref<80x128xf32, #tpu.memory_space<vmem>>
    %dma_start3A_99 = arith.constant 0 : i32
    %dma_start3A_100 = tpu.memref_slice %arg12[%dma_start3A_92, %dma_start3A_99] : memref<64x80xi32, #tpu.memory_space<vmem>> -> memref<1x80xi32, #tpu.memory_space<vmem>>
    %dma_start3A_101 = tpu.memref_squeeze %dma_start3A_100 : memref<1x80xi32, #tpu.memory_space<vmem>> -> memref<80xi32, #tpu.memory_space<vmem>>
    %dma_start3A_102 = arith.constant 0 : i32
    %dma_start3A_103 = arith.constant 0 : i32
    %dma_start3A_104 = tpu.memref_slice %arg4[%dma_start3A_102, %dma_start3A_103] : memref<100000x128xf32, #tpu.memory_space<hbm>> -> memref<100000x128xf32, #tpu.memory_space<hbm>>
    %dma_start3A_105 = tpu.memref_slice %arg23[%dma_start3A_94] : memref<4x!tpu.dma_semaphore, #tpu.memory_space<semaphore_mem>> -> memref<1x!tpu.dma_semaphore, #tpu.memory_space<semaphore_mem>>
    %dma_start3A_106 = tpu.memref_squeeze %dma_start3A_105 : memref<1x!tpu.dma_semaphore, #tpu.memory_space<semaphore_mem>> -> memref<!tpu.dma_semaphore, #tpu.memory_space<semaphore_mem>>
    tpu.enqueue_indirect_dma source(%dma_start3A_104 : memref<100000x128xf32, #tpu.memory_space<hbm>>) target(%dma_start3A_98 : memref<80x128xf32, #tpu.memory_space<vmem>>) offsets(%dma_start3A_101 : memref<80xi32, #tpu.memory_space<vmem>>) semaphore(%dma_start3A_106 : memref<!tpu.dma_semaphore, #tpu.memory_space<semaphore_mem>>)
    %dma_start3A_107 = arith.constant 7 : i32
    %dma_start3A_108 = arith.constant 3 : i32
    %dma_start3A_109 = arith.constant 3 : i32
    %dma_start3A_110 = arith.constant 80 : i32
    %dma_start3A_111 = arith.constant 0 : i32
    %dma_start3A_112 = tpu.memref_slice %arg13[%dma_start3A_108, %dma_start3A_110, %dma_start3A_111] : memref<4x160x128xf32, #tpu.memory_space<vmem>> -> memref<1x80x128xf32, #tpu.memory_space<vmem>>
    %dma_start3A_113 = tpu.memref_squeeze %dma_start3A_112 : memref<1x80x128xf32, #tpu.memory_space<vmem>> -> memref<80x128xf32, #tpu.memory_space<vmem>>
    %dma_start3A_114 = arith.constant 0 : i32
    %dma_start3A_115 = tpu.memref_slice %arg12[%dma_start3A_107, %dma_start3A_114] : memref<64x80xi32, #tpu.memory_space<vmem>> -> memref<1x80xi32, #tpu.memory_space<vmem>>
    %dma_start3A_116 = tpu.memref_squeeze %dma_start3A_115 : memref<1x80xi32, #tpu.memory_space<vmem>> -> memref<80xi32, #tpu.memory_space<vmem>>
    %dma_start3A_117 = arith.constant 0 : i32
    %dma_start3A_118 = arith.constant 0 : i32
    %dma_start3A_119 = tpu.memref_slice %arg4[%dma_start3A_117, %dma_start3A_118] : memref<100000x128xf32, #tpu.memory_space<hbm>> -> memref<100000x128xf32, #tpu.memory_space<hbm>>
    %dma_start3A_120 = tpu.memref_slice %arg23[%dma_start3A_109] : memref<4x!tpu.dma_semaphore, #tpu.memory_space<semaphore_mem>> -> memref<1x!tpu.dma_semaphore, #tpu.memory_space<semaphore_mem>>
    %dma_start3A_121 = tpu.memref_squeeze %dma_start3A_120 : memref<1x!tpu.dma_semaphore, #tpu.memory_space<semaphore_mem>> -> memref<!tpu.dma_semaphore, #tpu.memory_space<semaphore_mem>>
    tpu.enqueue_indirect_dma source(%dma_start3A_119 : memref<100000x128xf32, #tpu.memory_space<hbm>>) target(%dma_start3A_113 : memref<80x128xf32, #tpu.memory_space<vmem>>) offsets(%dma_start3A_116 : memref<80xi32, #tpu.memory_space<vmem>>) semaphore(%dma_start3A_121 : memref<!tpu.dma_semaphore, #tpu.memory_space<semaphore_mem>>)
    %dma_start3A_122 = arith.constant 8 : i32
    %dma_start3A_123 = arith.constant 0 : i32
    %dma_start3A_124 = arith.constant 0 : i32
    %dma_start3A_125 = arith.constant 0 : i32
    %dma_start3A_126 = arith.constant 0 : i32
    %dma_start3A_127 = tpu.memref_slice %arg13[%dma_start3A_123, %dma_start3A_125, %dma_start3A_126] : memref<4x160x128xf32, #tpu.memory_space<vmem>> -> memref<1x80x128xf32, #tpu.memory_space<vmem>>
    %dma_start3A_128 = tpu.memref_squeeze %dma_start3A_127 : memref<1x80x128xf32, #tpu.memory_space<vmem>> -> memref<80x128xf32, #tpu.memory_space<vmem>>
    %dma_start3A_129 = arith.constant 0 : i32
    %dma_start3A_130 = tpu.memref_slice %arg12[%dma_start3A_122, %dma_start3A_129] : memref<64x80xi32, #tpu.memory_space<vmem>> -> memref<1x80xi32, #tpu.memory_space<vmem>>
    %dma_start3A_131 = tpu.memref_squeeze %dma_start3A_130 : memref<1x80xi32, #tpu.memory_space<vmem>> -> memref<80xi32, #tpu.memory_space<vmem>>
    %dma_start3A_132 = arith.constant 0 : i32
    %dma_start3A_133 = arith.constant 0 : i32
    %dma_start3A_134 = tpu.memref_slice %arg4[%dma_start3A_132, %dma_start3A_133] : memref<100000x128xf32, #tpu.memory_space<hbm>> -> memref<100000x128xf32, #tpu.memory_space<hbm>>
    %dma_start3A_135 = tpu.memref_slice %arg23[%dma_start3A_124] : memref<4x!tpu.dma_semaphore, #tpu.memory_space<semaphore_mem>> -> memref<1x!tpu.dma_semaphore, #tpu.memory_space<semaphore_mem>>
    %dma_start3A_136 = tpu.memref_squeeze %dma_start3A_135 : memref<1x!tpu.dma_semaphore, #tpu.memory_space<semaphore_mem>> -> memref<!tpu.dma_semaphore, #tpu.memory_space<semaphore_mem>>
    tpu.enqueue_indirect_dma source(%dma_start3A_134 : memref<100000x128xf32, #tpu.memory_space<hbm>>) target(%dma_start3A_128 : memref<80x128xf32, #tpu.memory_space<vmem>>) offsets(%dma_start3A_131 : memref<80xi32, #tpu.memory_space<vmem>>) semaphore(%dma_start3A_136 : memref<!tpu.dma_semaphore, #tpu.memory_space<semaphore_mem>>)
    %dma_start3A_137 = arith.constant 9 : i32
    %dma_start3A_138 = arith.constant 0 : i32
    %dma_start3A_139 = arith.constant 0 : i32
    %dma_start3A_140 = arith.constant 80 : i32
    %dma_start3A_141 = arith.constant 0 : i32
    %dma_start3A_142 = tpu.memref_slice %arg13[%dma_start3A_138, %dma_start3A_140, %dma_start3A_141] : memref<4x160x128xf32, #tpu.memory_space<vmem>> -> memref<1x80x128xf32, #tpu.memory_space<vmem>>
    %dma_start3A_143 = tpu.memref_squeeze %dma_start3A_142 : memref<1x80x128xf32, #tpu.memory_space<vmem>> -> memref<80x128xf32, #tpu.memory_space<vmem>>
    %dma_start3A_144 = arith.constant 0 : i32
    %dma_start3A_145 = tpu.memref_slice %arg12[%dma_start3A_137, %dma_start3A_144] : memref<64x80xi32, #tpu.memory_space<vmem>> -> memref<1x80xi32, #tpu.memory_space<vmem>>
    %dma_start3A_146 = tpu.memref_squeeze %dma_start3A_145 : memref<1x80xi32, #tpu.memory_space<vmem>> -> memref<80xi32, #tpu.memory_space<vmem>>
    %dma_start3A_147 = arith.constant 0 : i32
    %dma_start3A_148 = arith.constant 0 : i32
    %dma_start3A_149 = tpu.memref_slice %arg4[%dma_start3A_147, %dma_start3A_148] : memref<100000x128xf32, #tpu.memory_space<hbm>> -> memref<100000x128xf32, #tpu.memory_space<hbm>>
    %dma_start3A_150 = tpu.memref_slice %arg23[%dma_start3A_139] : memref<4x!tpu.dma_semaphore, #tpu.memory_space<semaphore_mem>> -> memref<1x!tpu.dma_semaphore, #tpu.memory_space<semaphore_mem>>
    %dma_start3A_151 = tpu.memref_squeeze %dma_start3A_150 : memref<1x!tpu.dma_semaphore, #tpu.memory_space<semaphore_mem>> -> memref<!tpu.dma_semaphore, #tpu.memory_space<semaphore_mem>>
    tpu.enqueue_indirect_dma source(%dma_start3A_149 : memref<100000x128xf32, #tpu.memory_space<hbm>>) target(%dma_start3A_143 : memref<80x128xf32, #tpu.memory_space<vmem>>) offsets(%dma_start3A_146 : memref<80xi32, #tpu.memory_space<vmem>>) semaphore(%dma_start3A_151 : memref<!tpu.dma_semaphore, #tpu.memory_space<semaphore_mem>>)
    %dma_start3A_152 = arith.constant 10 : i32
    %dma_start3A_153 = arith.constant 1 : i32
    %dma_start3A_154 = arith.constant 1 : i32
    %dma_start3A_155 = arith.constant 0 : i32
    %dma_start3A_156 = arith.constant 0 : i32
    %dma_start3A_157 = tpu.memref_slice %arg13[%dma_start3A_153, %dma_start3A_155, %dma_start3A_156] : memref<4x160x128xf32, #tpu.memory_space<vmem>> -> memref<1x80x128xf32, #tpu.memory_space<vmem>>
    %dma_start3A_158 = tpu.memref_squeeze %dma_start3A_157 : memref<1x80x128xf32, #tpu.memory_space<vmem>> -> memref<80x128xf32, #tpu.memory_space<vmem>>
    %dma_start3A_159 = arith.constant 0 : i32
    %dma_start3A_160 = tpu.memref_slice %arg12[%dma_start3A_152, %dma_start3A_159] : memref<64x80xi32, #tpu.memory_space<vmem>> -> memref<1x80xi32, #tpu.memory_space<vmem>>
    %dma_start3A_161 = tpu.memref_squeeze %dma_start3A_160 : memref<1x80xi32, #tpu.memory_space<vmem>> -> memref<80xi32, #tpu.memory_space<vmem>>
    %dma_start3A_162 = arith.constant 0 : i32
    %dma_start3A_163 = arith.constant 0 : i32
    %dma_start3A_164 = tpu.memref_slice %arg4[%dma_start3A_162, %dma_start3A_163] : memref<100000x128xf32, #tpu.memory_space<hbm>> -> memref<100000x128xf32, #tpu.memory_space<hbm>>
    %dma_start3A_165 = tpu.memref_slice %arg23[%dma_start3A_154] : memref<4x!tpu.dma_semaphore, #tpu.memory_space<semaphore_mem>> -> memref<1x!tpu.dma_semaphore, #tpu.memory_space<semaphore_mem>>
    %dma_start3A_166 = tpu.memref_squeeze %dma_start3A_165 : memref<1x!tpu.dma_semaphore, #tpu.memory_space<semaphore_mem>> -> memref<!tpu.dma_semaphore, #tpu.memory_space<semaphore_mem>>
    tpu.enqueue_indirect_dma source(%dma_start3A_164 : memref<100000x128xf32, #tpu.memory_space<hbm>>) target(%dma_start3A_158 : memref<80x128xf32, #tpu.memory_space<vmem>>) offsets(%dma_start3A_161 : memref<80xi32, #tpu.memory_space<vmem>>) semaphore(%dma_start3A_166 : memref<!tpu.dma_semaphore, #tpu.memory_space<semaphore_mem>>)
    %dma_start3A_167 = arith.constant 11 : i32
    %dma_start3A_168 = arith.constant 1 : i32
    %dma_start3A_169 = arith.constant 1 : i32
    %dma_start3A_170 = arith.constant 80 : i32
    %dma_start3A_171 = arith.constant 0 : i32
    %dma_start3A_172 = tpu.memref_slice %arg13[%dma_start3A_168, %dma_start3A_170, %dma_start3A_171] : memref<4x160x128xf32, #tpu.memory_space<vmem>> -> memref<1x80x128xf32, #tpu.memory_space<vmem>>
    %dma_start3A_173 = tpu.memref_squeeze %dma_start3A_172 : memref<1x80x128xf32, #tpu.memory_space<vmem>> -> memref<80x128xf32, #tpu.memory_space<vmem>>
    %dma_start3A_174 = arith.constant 0 : i32
    %dma_start3A_175 = tpu.memref_slice %arg12[%dma_start3A_167, %dma_start3A_174] : memref<64x80xi32, #tpu.memory_space<vmem>> -> memref<1x80xi32, #tpu.memory_space<vmem>>
    %dma_start3A_176 = tpu.memref_squeeze %dma_start3A_175 : memref<1x80xi32, #tpu.memory_space<vmem>> -> memref<80xi32, #tpu.memory_space<vmem>>
    %dma_start3A_177 = arith.constant 0 : i32
    %dma_start3A_178 = arith.constant 0 : i32
    %dma_start3A_179 = tpu.memref_slice %arg4[%dma_start3A_177, %dma_start3A_178] : memref<100000x128xf32, #tpu.memory_space<hbm>> -> memref<100000x128xf32, #tpu.memory_space<hbm>>
    %dma_start3A_180 = tpu.memref_slice %arg23[%dma_start3A_169] : memref<4x!tpu.dma_semaphore, #tpu.memory_space<semaphore_mem>> -> memref<1x!tpu.dma_semaphore, #tpu.memory_space<semaphore_mem>>
    %dma_start3A_181 = tpu.memref_squeeze %dma_start3A_180 : memref<1x!tpu.dma_semaphore, #tpu.memory_space<semaphore_mem>> -> memref<!tpu.dma_semaphore, #tpu.memory_space<semaphore_mem>>
    tpu.enqueue_indirect_dma source(%dma_start3A_179 : memref<100000x128xf32, #tpu.memory_space<hbm>>) target(%dma_start3A_173 : memref<80x128xf32, #tpu.memory_space<vmem>>) offsets(%dma_start3A_176 : memref<80xi32, #tpu.memory_space<vmem>>) semaphore(%dma_start3A_181 : memref<!tpu.dma_semaphore, #tpu.memory_space<semaphore_mem>>)
    %dma_start3A_182 = arith.constant 12 : i32
    %dma_start3A_183 = arith.constant 2 : i32
    %dma_start3A_184 = arith.constant 2 : i32
    %dma_start3A_185 = arith.constant 0 : i32
    %dma_start3A_186 = arith.constant 0 : i32
    %dma_start3A_187 = tpu.memref_slice %arg13[%dma_start3A_183, %dma_start3A_185, %dma_start3A_186] : memref<4x160x128xf32, #tpu.memory_space<vmem>> -> memref<1x80x128xf32, #tpu.memory_space<vmem>>
    %dma_start3A_188 = tpu.memref_squeeze %dma_start3A_187 : memref<1x80x128xf32, #tpu.memory_space<vmem>> -> memref<80x128xf32, #tpu.memory_space<vmem>>
    %dma_start3A_189 = arith.constant 0 : i32
    %dma_start3A_190 = tpu.memref_slice %arg12[%dma_start3A_182, %dma_start3A_189] : memref<64x80xi32, #tpu.memory_space<vmem>> -> memref<1x80xi32, #tpu.memory_space<vmem>>
    %dma_start3A_191 = tpu.memref_squeeze %dma_start3A_190 : memref<1x80xi32, #tpu.memory_space<vmem>> -> memref<80xi32, #tpu.memory_space<vmem>>
    %dma_start3A_192 = arith.constant 0 : i32
    %dma_start3A_193 = arith.constant 0 : i32
    %dma_start3A_194 = tpu.memref_slice %arg4[%dma_start3A_192, %dma_start3A_193] : memref<100000x128xf32, #tpu.memory_space<hbm>> -> memref<100000x128xf32, #tpu.memory_space<hbm>>
    %dma_start3A_195 = tpu.memref_slice %arg23[%dma_start3A_184] : memref<4x!tpu.dma_semaphore, #tpu.memory_space<semaphore_mem>> -> memref<1x!tpu.dma_semaphore, #tpu.memory_space<semaphore_mem>>
    %dma_start3A_196 = tpu.memref_squeeze %dma_start3A_195 : memref<1x!tpu.dma_semaphore, #tpu.memory_space<semaphore_mem>> -> memref<!tpu.dma_semaphore, #tpu.memory_space<semaphore_mem>>
    tpu.enqueue_indirect_dma source(%dma_start3A_194 : memref<100000x128xf32, #tpu.memory_space<hbm>>) target(%dma_start3A_188 : memref<80x128xf32, #tpu.memory_space<vmem>>) offsets(%dma_start3A_191 : memref<80xi32, #tpu.memory_space<vmem>>) semaphore(%dma_start3A_196 : memref<!tpu.dma_semaphore, #tpu.memory_space<semaphore_mem>>)
    %dma_start3A_197 = arith.constant 13 : i32
    %dma_start3A_198 = arith.constant 2 : i32
    %dma_start3A_199 = arith.constant 2 : i32
    %dma_start3A_200 = arith.constant 80 : i32
    %dma_start3A_201 = arith.constant 0 : i32
    %dma_start3A_202 = tpu.memref_slice %arg13[%dma_start3A_198, %dma_start3A_200, %dma_start3A_201] : memref<4x160x128xf32, #tpu.memory_space<vmem>> -> memref<1x80x128xf32, #tpu.memory_space<vmem>>
    %dma_start3A_203 = tpu.memref_squeeze %dma_start3A_202 : memref<1x80x128xf32, #tpu.memory_space<vmem>> -> memref<80x128xf32, #tpu.memory_space<vmem>>
    %dma_start3A_204 = arith.constant 0 : i32
    %dma_start3A_205 = tpu.memref_slice %arg12[%dma_start3A_197, %dma_start3A_204] : memref<64x80xi32, #tpu.memory_space<vmem>> -> memref<1x80xi32, #tpu.memory_space<vmem>>
    %dma_start3A_206 = tpu.memref_squeeze %dma_start3A_205 : memref<1x80xi32, #tpu.memory_space<vmem>> -> memref<80xi32, #tpu.memory_space<vmem>>
    %dma_start3A_207 = arith.constant 0 : i32
    %dma_start3A_208 = arith.constant 0 : i32
    %dma_start3A_209 = tpu.memref_slice %arg4[%dma_start3A_207, %dma_start3A_208] : memref<100000x128xf32, #tpu.memory_space<hbm>> -> memref<100000x128xf32, #tpu.memory_space<hbm>>
    %dma_start3A_210 = tpu.memref_slice %arg23[%dma_start3A_199] : memref<4x!tpu.dma_semaphore, #tpu.memory_space<semaphore_mem>> -> memref<1x!tpu.dma_semaphore, #tpu.memory_space<semaphore_mem>>
    %dma_start3A_211 = tpu.memref_squeeze %dma_start3A_210 : memref<1x!tpu.dma_semaphore, #tpu.memory_space<semaphore_mem>> -> memref<!tpu.dma_semaphore, #tpu.memory_space<semaphore_mem>>
    tpu.enqueue_indirect_dma source(%dma_start3A_209 : memref<100000x128xf32, #tpu.memory_space<hbm>>) target(%dma_start3A_203 : memref<80x128xf32, #tpu.memory_space<vmem>>) offsets(%dma_start3A_206 : memref<80xi32, #tpu.memory_space<vmem>>) semaphore(%dma_start3A_211 : memref<!tpu.dma_semaphore, #tpu.memory_space<semaphore_mem>>)
    %dma_start3A_212 = arith.constant 14 : i32
    %dma_start3A_213 = arith.constant 3 : i32
    %dma_start3A_214 = arith.constant 3 : i32
    %dma_start3A_215 = arith.constant 0 : i32
    %dma_start3A_216 = arith.constant 0 : i32
    %dma_start3A_217 = tpu.memref_slice %arg13[%dma_start3A_213, %dma_start3A_215, %dma_start3A_216] : memref<4x160x128xf32, #tpu.memory_space<vmem>> -> memref<1x80x128xf32, #tpu.memory_space<vmem>>
    %dma_start3A_218 = tpu.memref_squeeze %dma_start3A_217 : memref<1x80x128xf32, #tpu.memory_space<vmem>> -> memref<80x128xf32, #tpu.memory_space<vmem>>
    %dma_start3A_219 = arith.constant 0 : i32
    %dma_start3A_220 = tpu.memref_slice %arg12[%dma_start3A_212, %dma_start3A_219] : memref<64x80xi32, #tpu.memory_space<vmem>> -> memref<1x80xi32, #tpu.memory_space<vmem>>
    %dma_start3A_221 = tpu.memref_squeeze %dma_start3A_220 : memref<1x80xi32, #tpu.memory_space<vmem>> -> memref<80xi32, #tpu.memory_space<vmem>>
    %dma_start3A_222 = arith.constant 0 : i32
    %dma_start3A_223 = arith.constant 0 : i32
    %dma_start3A_224 = tpu.memref_slice %arg4[%dma_start3A_222, %dma_start3A_223] : memref<100000x128xf32, #tpu.memory_space<hbm>> -> memref<100000x128xf32, #tpu.memory_space<hbm>>
    %dma_start3A_225 = tpu.memref_slice %arg23[%dma_start3A_214] : memref<4x!tpu.dma_semaphore, #tpu.memory_space<semaphore_mem>> -> memref<1x!tpu.dma_semaphore, #tpu.memory_space<semaphore_mem>>
    %dma_start3A_226 = tpu.memref_squeeze %dma_start3A_225 : memref<1x!tpu.dma_semaphore, #tpu.memory_space<semaphore_mem>> -> memref<!tpu.dma_semaphore, #tpu.memory_space<semaphore_mem>>
    tpu.enqueue_indirect_dma source(%dma_start3A_224 : memref<100000x128xf32, #tpu.memory_space<hbm>>) target(%dma_start3A_218 : memref<80x128xf32, #tpu.memory_space<vmem>>) offsets(%dma_start3A_221 : memref<80xi32, #tpu.memory_space<vmem>>) semaphore(%dma_start3A_226 : memref<!tpu.dma_semaphore, #tpu.memory_space<semaphore_mem>>)
    %dma_start3A_227 = arith.constant 15 : i32
    %dma_start3A_228 = arith.constant 3 : i32
    %dma_start3A_229 = arith.constant 3 : i32
    %dma_start3A_230 = arith.constant 80 : i32
    %dma_start3A_231 = arith.constant 0 : i32
    %dma_start3A_232 = tpu.memref_slice %arg13[%dma_start3A_228, %dma_start3A_230, %dma_start3A_231] : memref<4x160x128xf32, #tpu.memory_space<vmem>> -> memref<1x80x128xf32, #tpu.memory_space<vmem>>
    %dma_start3A_233 = tpu.memref_squeeze %dma_start3A_232 : memref<1x80x128xf32, #tpu.memory_space<vmem>> -> memref<80x128xf32, #tpu.memory_space<vmem>>
    %dma_start3A_234 = arith.constant 0 : i32
    %dma_start3A_235 = tpu.memref_slice %arg12[%dma_start3A_227, %dma_start3A_234] : memref<64x80xi32, #tpu.memory_space<vmem>> -> memref<1x80xi32, #tpu.memory_space<vmem>>
    %dma_start3A_236 = tpu.memref_squeeze %dma_start3A_235 : memref<1x80xi32, #tpu.memory_space<vmem>> -> memref<80xi32, #tpu.memory_space<vmem>>
    %dma_start3A_237 = arith.constant 0 : i32
    %dma_start3A_238 = arith.constant 0 : i32
    %dma_start3A_239 = tpu.memref_slice %arg4[%dma_start3A_237, %dma_start3A_238] : memref<100000x128xf32, #tpu.memory_space<hbm>> -> memref<100000x128xf32, #tpu.memory_space<hbm>>
    %dma_start3A_240 = tpu.memref_slice %arg23[%dma_start3A_229] : memref<4x!tpu.dma_semaphore, #tpu.memory_space<semaphore_mem>> -> memref<1x!tpu.dma_semaphore, #tpu.memory_space<semaphore_mem>>
    %dma_start3A_241 = tpu.memref_squeeze %dma_start3A_240 : memref<1x!tpu.dma_semaphore, #tpu.memory_space<semaphore_mem>> -> memref<!tpu.dma_semaphore, #tpu.memory_space<semaphore_mem>>
    tpu.enqueue_indirect_dma source(%dma_start3A_239 : memref<100000x128xf32, #tpu.memory_space<hbm>>) target(%dma_start3A_233 : memref<80x128xf32, #tpu.memory_space<vmem>>) offsets(%dma_start3A_236 : memref<80xi32, #tpu.memory_space<vmem>>) semaphore(%dma_start3A_241 : memref<!tpu.dma_semaphore, #tpu.memory_space<semaphore_mem>>)
    %scan3A = arith.constant 0 : i32
    %scan3A_242 = arith.constant 32 : i32
    %scan3A_243 = arith.addi %scan3A, %scan3A_242 : i32
    %scan3A_244 = arith.constant 1 : i32
    scf.for %scan3A_333 = %scan3A to %scan3A_243 step %scan3A_244  : i32 {
      %mul3A_334 = arith.constant 1 : i32
      %mul3A_335 = arith.muli %scan3A_333, %mul3A_334 : i32
      %add3A_336 = arith.constant 0 : i32
      %add3A_337 = arith.addi %add3A_336, %mul3A_335 : i32
      %jit3A = arith.constant 4 : i32
      %eq3A = arith.constant 0 : i32
      %eq3A_338 = arith.cmpi eq, %jit3A, %eq3A : i32
      %jit3A_339 = arith.constant 1 : i32
      %select_n3A = arith.select %eq3A_338, %jit3A_339, %jit3A : i32
      %rem3A = arith.remsi %add3A_337, %select_n3A : i32
      %ne3A = arith.constant 0 : i32
      %ne3A_340 = arith.cmpi ne, %rem3A, %ne3A : i32
      %lt3A = arith.constant 0 : i32
      %lt3A_341 = arith.cmpi slt, %rem3A, %lt3A : i32
      %lt3A_342 = arith.constant 0 : i32
      %lt3A_343 = arith.cmpi slt, %select_n3A, %lt3A_342 : i32
      %ne3A_344 = arith.xori %lt3A_341, %lt3A_343 : i1
      %and3A = arith.andi %ne3A_344, %ne3A_340 : i1
      %add3A_345 = arith.addi %rem3A, %select_n3A : i32
      %select_n3A_346 = arith.select %and3A, %add3A_345, %rem3A : i32
      %mul3A_347 = arith.constant 2 : i32
      %mul3A_348 = arith.muli %mul3A_347, %add3A_337 : i32
      %add3A_349 = arith.constant 0 : i32
      %add3A_350 = arith.addi %mul3A_348, %add3A_349 : i32
      %dma_wait3A_351 = arith.constant 0 : i32
      %dma_wait3A_352 = arith.constant 0 : i32
      %dma_wait3A_353 = tpu.memref_slice %arg13[%select_n3A_346, %dma_wait3A_351, %dma_wait3A_352] : memref<4x160x128xf32, #tpu.memory_space<vmem>> -> memref<1x80x128xf32, #tpu.memory_space<vmem>>
      %dma_wait3A_354 = tpu.memref_squeeze %dma_wait3A_353 : memref<1x80x128xf32, #tpu.memory_space<vmem>> -> memref<80x128xf32, #tpu.memory_space<vmem>>
      %dma_wait3A_355 = arith.constant 0 : i32
      %dma_wait3A_356 = tpu.memref_slice %arg12[%add3A_350, %dma_wait3A_355] : memref<64x80xi32, #tpu.memory_space<vmem>> -> memref<1x80xi32, #tpu.memory_space<vmem>>
      %dma_wait3A_357 = tpu.memref_squeeze %dma_wait3A_356 : memref<1x80xi32, #tpu.memory_space<vmem>> -> memref<80xi32, #tpu.memory_space<vmem>>
      %dma_wait3A_358 = arith.constant 0 : i32
      %dma_wait3A_359 = arith.constant 0 : i32
      %dma_wait3A_360 = tpu.memref_slice %arg4[%dma_wait3A_358, %dma_wait3A_359] : memref<100000x128xf32, #tpu.memory_space<hbm>> -> memref<100000x128xf32, #tpu.memory_space<hbm>>
      %dma_wait3A_361 = tpu.memref_slice %arg23[%select_n3A_346] : memref<4x!tpu.dma_semaphore, #tpu.memory_space<semaphore_mem>> -> memref<1x!tpu.dma_semaphore, #tpu.memory_space<semaphore_mem>>
      %dma_wait3A_362 = tpu.memref_squeeze %dma_wait3A_361 : memref<1x!tpu.dma_semaphore, #tpu.memory_space<semaphore_mem>> -> memref<!tpu.dma_semaphore, #tpu.memory_space<semaphore_mem>>
      tpu.wait_indirect_dma semaphore(%dma_wait3A_362 : memref<!tpu.dma_semaphore, #tpu.memory_space<semaphore_mem>>) src(%dma_wait3A_360 : memref<100000x128xf32, #tpu.memory_space<hbm>>) dst(%dma_wait3A_354 : memref<80x128xf32, #tpu.memory_space<vmem>>)
      %mul3A_363 = arith.constant 2 : i32
      %mul3A_364 = arith.muli %mul3A_363, %add3A_337 : i32
      %add3A_365 = arith.constant 1 : i32
      %add3A_366 = arith.addi %mul3A_364, %add3A_365 : i32
      %dma_wait3A_367 = arith.constant 80 : i32
      %dma_wait3A_368 = arith.constant 0 : i32
      %dma_wait3A_369 = tpu.memref_slice %arg13[%select_n3A_346, %dma_wait3A_367, %dma_wait3A_368] : memref<4x160x128xf32, #tpu.memory_space<vmem>> -> memref<1x80x128xf32, #tpu.memory_space<vmem>>
      %dma_wait3A_370 = tpu.memref_squeeze %dma_wait3A_369 : memref<1x80x128xf32, #tpu.memory_space<vmem>> -> memref<80x128xf32, #tpu.memory_space<vmem>>
      %dma_wait3A_371 = arith.constant 0 : i32
      %dma_wait3A_372 = tpu.memref_slice %arg12[%add3A_366, %dma_wait3A_371] : memref<64x80xi32, #tpu.memory_space<vmem>> -> memref<1x80xi32, #tpu.memory_space<vmem>>
      %dma_wait3A_373 = tpu.memref_squeeze %dma_wait3A_372 : memref<1x80xi32, #tpu.memory_space<vmem>> -> memref<80xi32, #tpu.memory_space<vmem>>
      %dma_wait3A_374 = arith.constant 0 : i32
      %dma_wait3A_375 = arith.constant 0 : i32
      %dma_wait3A_376 = tpu.memref_slice %arg4[%dma_wait3A_374, %dma_wait3A_375] : memref<100000x128xf32, #tpu.memory_space<hbm>> -> memref<100000x128xf32, #tpu.memory_space<hbm>>
      %dma_wait3A_377 = tpu.memref_slice %arg23[%select_n3A_346] : memref<4x!tpu.dma_semaphore, #tpu.memory_space<semaphore_mem>> -> memref<1x!tpu.dma_semaphore, #tpu.memory_space<semaphore_mem>>
      %dma_wait3A_378 = tpu.memref_squeeze %dma_wait3A_377 : memref<1x!tpu.dma_semaphore, #tpu.memory_space<semaphore_mem>> -> memref<!tpu.dma_semaphore, #tpu.memory_space<semaphore_mem>>
      tpu.wait_indirect_dma semaphore(%dma_wait3A_378 : memref<!tpu.dma_semaphore, #tpu.memory_space<semaphore_mem>>) src(%dma_wait3A_376 : memref<100000x128xf32, #tpu.memory_space<hbm>>) dst(%dma_wait3A_370 : memref<80x128xf32, #tpu.memory_space<vmem>>)
      %broadcast_in_dim3A = arith.constant 0.000000e+00 : f32
      %broadcast_in_dim3A_379 = vector.broadcast %broadcast_in_dim3A : f32 to vector<16xf32>
      %broadcast_in_dim3A_380 = arith.constant 0.000000e+00 : f32
      %broadcast_in_dim3A_381 = vector.broadcast %broadcast_in_dim3A_380 : f32 to vector<16xf32>
      %broadcast_in_dim3A_382 = arith.constant 0.000000e+00 : f32
      %broadcast_in_dim3A_383 = vector.broadcast %broadcast_in_dim3A_382 : f32 to vector<16xf32>
      %broadcast_in_dim3A_384 = arith.constant 0.000000e+00 : f32
      %broadcast_in_dim3A_385 = vector.broadcast %broadcast_in_dim3A_384 : f32 to vector<16xf32>
      %broadcast_in_dim3A_386 = arith.constant 0.000000e+00 : f32
      %broadcast_in_dim3A_387 = vector.broadcast %broadcast_in_dim3A_386 : f32 to vector<16xf32>
      %broadcast_in_dim3A_388 = arith.constant 0.000000e+00 : f32
      %broadcast_in_dim3A_389 = vector.broadcast %broadcast_in_dim3A_388 : f32 to vector<16xf32>
      %broadcast_in_dim3A_390 = arith.constant 0.000000e+00 : f32
      %broadcast_in_dim3A_391 = vector.broadcast %broadcast_in_dim3A_390 : f32 to vector<16xf32>
      %broadcast_in_dim3A_392 = arith.constant 0.000000e+00 : f32
      %broadcast_in_dim3A_393 = vector.broadcast %broadcast_in_dim3A_392 : f32 to vector<16xf32>
      %parallel_loop3A = arith.constant 0 : i32
      %parallel_loop3A_394 = arith.constant 160 : i32
      %parallel_loop3A_395 = arith.constant 1 : i32
      %parallel_loop3A_396:8 = scf.for %parallel_loop3A_594 = %parallel_loop3A to %parallel_loop3A_394 step %parallel_loop3A_395 iter_args(%parallel_loop3A_595 = %broadcast_in_dim3A_379, %parallel_loop3A_596 = %broadcast_in_dim3A_381, %parallel_loop3A_597 = %broadcast_in_dim3A_383, %parallel_loop3A_598 = %broadcast_in_dim3A_385, %parallel_loop3A_599 = %broadcast_in_dim3A_387, %parallel_loop3A_600 = %broadcast_in_dim3A_389, %parallel_loop3A_601 = %broadcast_in_dim3A_391, %parallel_loop3A_602 = %broadcast_in_dim3A_393) -> (vector<16xf32>, vector<16xf32>, vector<16xf32>, vector<16xf32>, vector<16xf32>, vector<16xf32>, vector<16xf32>, vector<16xf32>)  : i32 {
        %parallel_loop3A_603 = arith.index_cast %select_n3A_346 : i32 to index
        %parallel_loop3A_604 = arith.index_cast %parallel_loop3A_594 : i32 to index
        %parallel_loop3A_605 = arith.constant 0 : index
        %parallel_loop3A_606 = tpu.vector_load %arg13[%parallel_loop3A_603, %parallel_loop3A_604, %parallel_loop3A_605] {strides = array<i32>} : memref<4x160x128xf32, #tpu.memory_space<vmem>>, vector<16xf32>,
        %parallel_loop3A_607 = arith.addf %parallel_loop3A_595, %parallel_loop3A_606 : vector<16xf32>
        %parallel_loop3A_608 = arith.index_cast %select_n3A_346 : i32 to index
        %parallel_loop3A_609 = arith.index_cast %parallel_loop3A_594 : i32 to index
        %parallel_loop3A_610 = arith.constant 16 : index
        %parallel_loop3A_611 = tpu.vector_load %arg13[%parallel_loop3A_608, %parallel_loop3A_609, %parallel_loop3A_610] {strides = array<i32>} : memref<4x160x128xf32, #tpu.memory_space<vmem>>, vector<16xf32>,
        %parallel_loop3A_612 = arith.addf %parallel_loop3A_596, %parallel_loop3A_611 : vector<16xf32>
        %parallel_loop3A_613 = arith.index_cast %select_n3A_346 : i32 to index
        %parallel_loop3A_614 = arith.index_cast %parallel_loop3A_594 : i32 to index
        %parallel_loop3A_615 = arith.constant 32 : index
        %parallel_loop3A_616 = tpu.vector_load %arg13[%parallel_loop3A_613, %parallel_loop3A_614, %parallel_loop3A_615] {strides = array<i32>} : memref<4x160x128xf32, #tpu.memory_space<vmem>>, vector<16xf32>,
        %parallel_loop3A_617 = arith.addf %parallel_loop3A_597, %parallel_loop3A_616 : vector<16xf32>
        %parallel_loop3A_618 = arith.index_cast %select_n3A_346 : i32 to index
        %parallel_loop3A_619 = arith.index_cast %parallel_loop3A_594 : i32 to index
        %parallel_loop3A_620 = arith.constant 48 : index
        %parallel_loop3A_621 = tpu.vector_load %arg13[%parallel_loop3A_618, %parallel_loop3A_619, %parallel_loop3A_620] {strides = array<i32>} : memref<4x160x128xf32, #tpu.memory_space<vmem>>, vector<16xf32>,
        %parallel_loop3A_622 = arith.addf %parallel_loop3A_598, %parallel_loop3A_621 : vector<16xf32>
        %parallel_loop3A_623 = arith.index_cast %select_n3A_346 : i32 to index
        %parallel_loop3A_624 = arith.index_cast %parallel_loop3A_594 : i32 to index
        %parallel_loop3A_625 = arith.constant 64 : index
        %parallel_loop3A_626 = tpu.vector_load %arg13[%parallel_loop3A_623, %parallel_loop3A_624, %parallel_loop3A_625] {strides = array<i32>} : memref<4x160x128xf32, #tpu.memory_space<vmem>>, vector<16xf32>,
        %parallel_loop3A_627 = arith.addf %parallel_loop3A_599, %parallel_loop3A_626 : vector<16xf32>
        %parallel_loop3A_628 = arith.index_cast %select_n3A_346 : i32 to index
        %parallel_loop3A_629 = arith.index_cast %parallel_loop3A_594 : i32 to index
        %parallel_loop3A_630 = arith.constant 80 : index
        %parallel_loop3A_631 = tpu.vector_load %arg13[%parallel_loop3A_628, %parallel_loop3A_629, %parallel_loop3A_630] {strides = array<i32>} : memref<4x160x128xf32, #tpu.memory_space<vmem>>, vector<16xf32>,
        %parallel_loop3A_632 = arith.addf %parallel_loop3A_600, %parallel_loop3A_631 : vector<16xf32>
        %parallel_loop3A_633 = arith.index_cast %select_n3A_346 : i32 to index
        %parallel_loop3A_634 = arith.index_cast %parallel_loop3A_594 : i32 to index
        %parallel_loop3A_635 = arith.constant 96 : index
        %parallel_loop3A_636 = tpu.vector_load %arg13[%parallel_loop3A_633, %parallel_loop3A_634, %parallel_loop3A_635] {strides = array<i32>} : memref<4x160x128xf32, #tpu.memory_space<vmem>>, vector<16xf32>,
        %parallel_loop3A_637 = arith.addf %parallel_loop3A_601, %parallel_loop3A_636 : vector<16xf32>
        %parallel_loop3A_638 = arith.index_cast %select_n3A_346 : i32 to index
        %parallel_loop3A_639 = arith.index_cast %parallel_loop3A_594 : i32 to index
        %parallel_loop3A_640 = arith.constant 112 : index
        %parallel_loop3A_641 = tpu.vector_load %arg13[%parallel_loop3A_638, %parallel_loop3A_639, %parallel_loop3A_640] {strides = array<i32>} : memref<4x160x128xf32, #tpu.memory_space<vmem>>, vector<16xf32>,
        %parallel_loop3A_642 = arith.addf %parallel_loop3A_602, %parallel_loop3A_641 : vector<16xf32>
        scf.yield %parallel_loop3A_607, %parallel_loop3A_612, %parallel_loop3A_617, %parallel_loop3A_622, %parallel_loop3A_627, %parallel_loop3A_632, %parallel_loop3A_637, %parallel_loop3A_642 : vector<16xf32>, vector<16xf32>, vector<16xf32>, vector<16xf32>, vector<16xf32>, vector<16xf32>, vector<16xf32>, vector<16xf32>
      } {sc.loop_unroll_factor = 4 : i64, sc.parallel_access}
      %swap3A = arith.constant 0 : index
      %swap3A_397 = tpu.vector_load %arg21[%swap3A] {strides = array<i32>} : memref<128xf32, #tpu.memory_space<vmem>>, vector<16xf32>,
      tpu.vector_store %arg21[%swap3A], %parallel_loop3A_396#0 {strides = array<i32>} : memref<128xf32, #tpu.memory_space<vmem>>, vector<16xf32>,
      %swap3A_398 = arith.constant 16 : index
      %swap3A_399 = tpu.vector_load %arg21[%swap3A_398] {strides = array<i32>} : memref<128xf32, #tpu.memory_space<vmem>>, vector<16xf32>,
      tpu.vector_store %arg21[%swap3A_398], %parallel_loop3A_396#1 {strides = array<i32>} : memref<128xf32, #tpu.memory_space<vmem>>, vector<16xf32>,
      %swap3A_400 = arith.constant 32 : index
      %swap3A_401 = tpu.vector_load %arg21[%swap3A_400] {strides = array<i32>} : memref<128xf32, #tpu.memory_space<vmem>>, vector<16xf32>,
      tpu.vector_store %arg21[%swap3A_400], %parallel_loop3A_396#2 {strides = array<i32>} : memref<128xf32, #tpu.memory_space<vmem>>, vector<16xf32>,
      %swap3A_402 = arith.constant 48 : index
      %swap3A_403 = tpu.vector_load %arg21[%swap3A_402] {strides = array<i32>} : memref<128xf32, #tpu.memory_space<vmem>>, vector<16xf32>,
      tpu.vector_store %arg21[%swap3A_402], %parallel_loop3A_396#3 {strides = array<i32>} : memref<128xf32, #tpu.memory_space<vmem>>, vector<16xf32>,
      %swap3A_404 = arith.constant 64 : index
      %swap3A_405 = tpu.vector_load %arg21[%swap3A_404] {strides = array<i32>} : memref<128xf32, #tpu.memory_space<vmem>>, vector<16xf32>,
      tpu.vector_store %arg21[%swap3A_404], %parallel_loop3A_396#4 {strides = array<i32>} : memref<128xf32, #tpu.memory_space<vmem>>, vector<16xf32>,
      %swap3A_406 = arith.constant 80 : index
      %swap3A_407 = tpu.vector_load %arg21[%swap3A_406] {strides = array<i32>} : memref<128xf32, #tpu.memory_space<vmem>>, vector<16xf32>,
      tpu.vector_store %arg21[%swap3A_406], %parallel_loop3A_396#5 {strides = array<i32>} : memref<128xf32, #tpu.memory_space<vmem>>, vector<16xf32>,
      %swap3A_408 = arith.constant 96 : index
      %swap3A_409 = tpu.vector_load %arg21[%swap3A_408] {strides = array<i32>} : memref<128xf32, #tpu.memory_space<vmem>>, vector<16xf32>,
      tpu.vector_store %arg21[%swap3A_408], %parallel_loop3A_396#6 {strides = array<i32>} : memref<128xf32, #tpu.memory_space<vmem>>, vector<16xf32>,
      %swap3A_410 = arith.constant 112 : index
      %swap3A_411 = tpu.vector_load %arg21[%swap3A_410] {strides = array<i32>} : memref<128xf32, #tpu.memory_space<vmem>>, vector<16xf32>,
      tpu.vector_store %arg21[%swap3A_410], %parallel_loop3A_396#7 {strides = array<i32>} : memref<128xf32, #tpu.memory_space<vmem>>, vector<16xf32>,
      %parallel_loop3A_412 = arith.constant 0 : i32
      %parallel_loop3A_413 = arith.constant 128 : i32
      %parallel_loop3A_414 = arith.constant 1 : i32
      %parallel_loop3A_415:8 = scf.for %parallel_loop3A_594 = %parallel_loop3A_412 to %parallel_loop3A_413 step %parallel_loop3A_414 iter_args(%parallel_loop3A_595 = %broadcast_in_dim3A_379, %parallel_loop3A_596 = %broadcast_in_dim3A_381, %parallel_loop3A_597 = %broadcast_in_dim3A_383, %parallel_loop3A_598 = %broadcast_in_dim3A_385, %parallel_loop3A_599 = %broadcast_in_dim3A_387, %parallel_loop3A_600 = %broadcast_in_dim3A_389, %parallel_loop3A_601 = %broadcast_in_dim3A_391, %parallel_loop3A_602 = %broadcast_in_dim3A_393) -> (vector<16xf32>, vector<16xf32>, vector<16xf32>, vector<16xf32>, vector<16xf32>, vector<16xf32>, vector<16xf32>, vector<16xf32>)  : i32 {
        %parallel_loop3A_603 = vector.broadcast %parallel_loop3A_594 : i32 to vector<16xi32>
        %parallel_loop3A_604 = tpu.vector_load_idx %arg21[%parallel_loop3A_603] : memref<128xf32, #tpu.memory_space<vmem>>[vector<16xi32>], vector<16xf32>,
        %parallel_loop3A_605 = arith.constant 64 : i32
        %parallel_loop3A_606 = arith.muli %parallel_loop3A_594, %parallel_loop3A_605 : i32
        %parallel_loop3A_607 = arith.constant 0 : i32
        %parallel_loop3A_608 = arith.addi %parallel_loop3A_606, %parallel_loop3A_607 : i32
        %parallel_loop3A_609 = arith.index_cast %parallel_loop3A_608 : i32 to index
        %parallel_loop3A_610 = tpu.vector_load %arg14[%parallel_loop3A_609] {strides = array<i32>} : memref<8192xi32, #tpu.memory_space<vmem>>, vector<16xi32>,
        %parallel_loop3A_611 = vector.bitcast %parallel_loop3A_610 : vector<16xi32> to vector<32xbf16>
        %parallel_loop3A_612 = tpu.unpack_subelements %parallel_loop3A_611, 0 {pack_format = #tpu.pack_format<interleaved>} : vector<32xbf16> -> vector<16xf32>
        %parallel_loop3A_613 = tpu.unpack_subelements %parallel_loop3A_611, 1 {pack_format = #tpu.pack_format<interleaved>} : vector<32xbf16> -> vector<16xf32>
        %parallel_loop3A_614 = arith.mulf %parallel_loop3A_604, %parallel_loop3A_612 : vector<16xf32>
        %parallel_loop3A_615 = arith.addf %parallel_loop3A_595, %parallel_loop3A_614 : vector<16xf32>
        %parallel_loop3A_616 = arith.mulf %parallel_loop3A_604, %parallel_loop3A_613 : vector<16xf32>
        %parallel_loop3A_617 = arith.addf %parallel_loop3A_596, %parallel_loop3A_616 : vector<16xf32>
        %parallel_loop3A_618 = arith.constant 64 : i32
        %parallel_loop3A_619 = arith.muli %parallel_loop3A_594, %parallel_loop3A_618 : i32
        %parallel_loop3A_620 = arith.constant 16 : i32
        %parallel_loop3A_621 = arith.addi %parallel_loop3A_619, %parallel_loop3A_620 : i32
        %parallel_loop3A_622 = arith.index_cast %parallel_loop3A_621 : i32 to index
        %parallel_loop3A_623 = tpu.vector_load %arg14[%parallel_loop3A_622] {strides = array<i32>} : memref<8192xi32, #tpu.memory_space<vmem>>, vector<16xi32>,
        %parallel_loop3A_624 = vector.bitcast %parallel_loop3A_623 : vector<16xi32> to vector<32xbf16>
        %parallel_loop3A_625 = tpu.unpack_subelements %parallel_loop3A_624, 0 {pack_format = #tpu.pack_format<interleaved>} : vector<32xbf16> -> vector<16xf32>
        %parallel_loop3A_626 = tpu.unpack_subelements %parallel_loop3A_624, 1 {pack_format = #tpu.pack_format<interleaved>} : vector<32xbf16> -> vector<16xf32>
        %parallel_loop3A_627 = arith.mulf %parallel_loop3A_604, %parallel_loop3A_625 : vector<16xf32>
        %parallel_loop3A_628 = arith.addf %parallel_loop3A_597, %parallel_loop3A_627 : vector<16xf32>
        %parallel_loop3A_629 = arith.mulf %parallel_loop3A_604, %parallel_loop3A_626 : vector<16xf32>
        %parallel_loop3A_630 = arith.addf %parallel_loop3A_598, %parallel_loop3A_629 : vector<16xf32>
        %parallel_loop3A_631 = arith.constant 64 : i32
        %parallel_loop3A_632 = arith.muli %parallel_loop3A_594, %parallel_loop3A_631 : i32
        %parallel_loop3A_633 = arith.constant 32 : i32
        %parallel_loop3A_634 = arith.addi %parallel_loop3A_632, %parallel_loop3A_633 : i32
        %parallel_loop3A_635 = arith.index_cast %parallel_loop3A_634 : i32 to index
        %parallel_loop3A_636 = tpu.vector_load %arg14[%parallel_loop3A_635] {strides = array<i32>} : memref<8192xi32, #tpu.memory_space<vmem>>, vector<16xi32>,
        %parallel_loop3A_637 = vector.bitcast %parallel_loop3A_636 : vector<16xi32> to vector<32xbf16>
        %parallel_loop3A_638 = tpu.unpack_subelements %parallel_loop3A_637, 0 {pack_format = #tpu.pack_format<interleaved>} : vector<32xbf16> -> vector<16xf32>
        %parallel_loop3A_639 = tpu.unpack_subelements %parallel_loop3A_637, 1 {pack_format = #tpu.pack_format<interleaved>} : vector<32xbf16> -> vector<16xf32>
        %parallel_loop3A_640 = arith.mulf %parallel_loop3A_604, %parallel_loop3A_638 : vector<16xf32>
        %parallel_loop3A_641 = arith.addf %parallel_loop3A_599, %parallel_loop3A_640 : vector<16xf32>
        %parallel_loop3A_642 = arith.mulf %parallel_loop3A_604, %parallel_loop3A_639 : vector<16xf32>
        %parallel_loop3A_643 = arith.addf %parallel_loop3A_600, %parallel_loop3A_642 : vector<16xf32>
        %parallel_loop3A_644 = arith.constant 64 : i32
        %parallel_loop3A_645 = arith.muli %parallel_loop3A_594, %parallel_loop3A_644 : i32
        %parallel_loop3A_646 = arith.constant 48 : i32
        %parallel_loop3A_647 = arith.addi %parallel_loop3A_645, %parallel_loop3A_646 : i32
        %parallel_loop3A_648 = arith.index_cast %parallel_loop3A_647 : i32 to index
        %parallel_loop3A_649 = tpu.vector_load %arg14[%parallel_loop3A_648] {strides = array<i32>} : memref<8192xi32, #tpu.memory_space<vmem>>, vector<16xi32>,
        %parallel_loop3A_650 = vector.bitcast %parallel_loop3A_649 : vector<16xi32> to vector<32xbf16>
        %parallel_loop3A_651 = tpu.unpack_subelements %parallel_loop3A_650, 0 {pack_format = #tpu.pack_format<interleaved>} : vector<32xbf16> -> vector<16xf32>
        %parallel_loop3A_652 = tpu.unpack_subelements %parallel_loop3A_650, 1 {pack_format = #tpu.pack_format<interleaved>} : vector<32xbf16> -> vector<16xf32>
        %parallel_loop3A_653 = arith.mulf %parallel_loop3A_604, %parallel_loop3A_651 : vector<16xf32>
        %parallel_loop3A_654 = arith.addf %parallel_loop3A_601, %parallel_loop3A_653 : vector<16xf32>
        %parallel_loop3A_655 = arith.mulf %parallel_loop3A_604, %parallel_loop3A_652 : vector<16xf32>
        %parallel_loop3A_656 = arith.addf %parallel_loop3A_602, %parallel_loop3A_655 : vector<16xf32>
        scf.yield %parallel_loop3A_615, %parallel_loop3A_617, %parallel_loop3A_628, %parallel_loop3A_630, %parallel_loop3A_641, %parallel_loop3A_643, %parallel_loop3A_654, %parallel_loop3A_656 : vector<16xf32>, vector<16xf32>, vector<16xf32>, vector<16xf32>, vector<16xf32>, vector<16xf32>, vector<16xf32>, vector<16xf32>
      } {sc.loop_unroll_factor = 4 : i64, sc.parallel_access}
      %get3A = arith.constant 0 : index
      %get3A_416 = tpu.vector_load %arg17[%get3A] {strides = array<i32>} : memref<128xf32, #tpu.memory_space<vmem>>, vector<16xf32>,
      %add3A_417 = arith.addf %parallel_loop3A_415#0, %get3A_416 : vector<16xf32>
      %max3A = arith.constant 0.000000e+00 : f32
      %max3A_418 = vector.broadcast %max3A : f32 to vector<16xf32>
      %max3A_419 = arith.maximumf %add3A_417, %max3A_418 : vector<16xf32>
      %swap3A_420 = arith.constant 0 : index
      %swap3A_421 = tpu.vector_load %arg22[%swap3A_420] {strides = array<i32>} : memref<128xf32, #tpu.memory_space<vmem>>, vector<16xf32>,
      tpu.vector_store %arg22[%swap3A_420], %max3A_419 {strides = array<i32>} : memref<128xf32, #tpu.memory_space<vmem>>, vector<16xf32>,
      %get3A_422 = arith.constant 16 : index
      %get3A_423 = tpu.vector_load %arg17[%get3A_422] {strides = array<i32>} : memref<128xf32, #tpu.memory_space<vmem>>, vector<16xf32>,
      %add3A_424 = arith.addf %parallel_loop3A_415#1, %get3A_423 : vector<16xf32>
      %max3A_425 = arith.constant 0.000000e+00 : f32
      %max3A_426 = vector.broadcast %max3A_425 : f32 to vector<16xf32>
      %max3A_427 = arith.maximumf %add3A_424, %max3A_426 : vector<16xf32>
      %swap3A_428 = arith.constant 16 : index
      %swap3A_429 = tpu.vector_load %arg22[%swap3A_428] {strides = array<i32>} : memref<128xf32, #tpu.memory_space<vmem>>, vector<16xf32>,
      tpu.vector_store %arg22[%swap3A_428], %max3A_427 {strides = array<i32>} : memref<128xf32, #tpu.memory_space<vmem>>, vector<16xf32>,
      %get3A_430 = arith.constant 32 : index
      %get3A_431 = tpu.vector_load %arg17[%get3A_430] {strides = array<i32>} : memref<128xf32, #tpu.memory_space<vmem>>, vector<16xf32>,
      %add3A_432 = arith.addf %parallel_loop3A_415#2, %get3A_431 : vector<16xf32>
      %max3A_433 = arith.constant 0.000000e+00 : f32
      %max3A_434 = vector.broadcast %max3A_433 : f32 to vector<16xf32>
      %max3A_435 = arith.maximumf %add3A_432, %max3A_434 : vector<16xf32>
      %swap3A_436 = arith.constant 32 : index
      %swap3A_437 = tpu.vector_load %arg22[%swap3A_436] {strides = array<i32>} : memref<128xf32, #tpu.memory_space<vmem>>, vector<16xf32>,
      tpu.vector_store %arg22[%swap3A_436], %max3A_435 {strides = array<i32>} : memref<128xf32, #tpu.memory_space<vmem>>, vector<16xf32>,
      %get3A_438 = arith.constant 48 : index
      %get3A_439 = tpu.vector_load %arg17[%get3A_438] {strides = array<i32>} : memref<128xf32, #tpu.memory_space<vmem>>, vector<16xf32>,
      %add3A_440 = arith.addf %parallel_loop3A_415#3, %get3A_439 : vector<16xf32>
      %max3A_441 = arith.constant 0.000000e+00 : f32
      %max3A_442 = vector.broadcast %max3A_441 : f32 to vector<16xf32>
      %max3A_443 = arith.maximumf %add3A_440, %max3A_442 : vector<16xf32>
      %swap3A_444 = arith.constant 48 : index
      %swap3A_445 = tpu.vector_load %arg22[%swap3A_444] {strides = array<i32>} : memref<128xf32, #tpu.memory_space<vmem>>, vector<16xf32>,
      tpu.vector_store %arg22[%swap3A_444], %max3A_443 {strides = array<i32>} : memref<128xf32, #tpu.memory_space<vmem>>, vector<16xf32>,
      %get3A_446 = arith.constant 64 : index
      %get3A_447 = tpu.vector_load %arg17[%get3A_446] {strides = array<i32>} : memref<128xf32, #tpu.memory_space<vmem>>, vector<16xf32>,
      %add3A_448 = arith.addf %parallel_loop3A_415#4, %get3A_447 : vector<16xf32>
      %max3A_449 = arith.constant 0.000000e+00 : f32
      %max3A_450 = vector.broadcast %max3A_449 : f32 to vector<16xf32>
      %max3A_451 = arith.maximumf %add3A_448, %max3A_450 : vector<16xf32>
      %swap3A_452 = arith.constant 64 : index
      %swap3A_453 = tpu.vector_load %arg22[%swap3A_452] {strides = array<i32>} : memref<128xf32, #tpu.memory_space<vmem>>, vector<16xf32>,
      tpu.vector_store %arg22[%swap3A_452], %max3A_451 {strides = array<i32>} : memref<128xf32, #tpu.memory_space<vmem>>, vector<16xf32>,
      %get3A_454 = arith.constant 80 : index
      %get3A_455 = tpu.vector_load %arg17[%get3A_454] {strides = array<i32>} : memref<128xf32, #tpu.memory_space<vmem>>, vector<16xf32>,
      %add3A_456 = arith.addf %parallel_loop3A_415#5, %get3A_455 : vector<16xf32>
      %max3A_457 = arith.constant 0.000000e+00 : f32
      %max3A_458 = vector.broadcast %max3A_457 : f32 to vector<16xf32>
      %max3A_459 = arith.maximumf %add3A_456, %max3A_458 : vector<16xf32>
      %swap3A_460 = arith.constant 80 : index
      %swap3A_461 = tpu.vector_load %arg22[%swap3A_460] {strides = array<i32>} : memref<128xf32, #tpu.memory_space<vmem>>, vector<16xf32>,
      tpu.vector_store %arg22[%swap3A_460], %max3A_459 {strides = array<i32>} : memref<128xf32, #tpu.memory_space<vmem>>, vector<16xf32>,
      %get3A_462 = arith.constant 96 : index
      %get3A_463 = tpu.vector_load %arg17[%get3A_462] {strides = array<i32>} : memref<128xf32, #tpu.memory_space<vmem>>, vector<16xf32>,
      %add3A_464 = arith.addf %parallel_loop3A_415#6, %get3A_463 : vector<16xf32>
      %max3A_465 = arith.constant 0.000000e+00 : f32
      %max3A_466 = vector.broadcast %max3A_465 : f32 to vector<16xf32>
      %max3A_467 = arith.maximumf %add3A_464, %max3A_466 : vector<16xf32>
      %swap3A_468 = arith.constant 96 : index
      %swap3A_469 = tpu.vector_load %arg22[%swap3A_468] {strides = array<i32>} : memref<128xf32, #tpu.memory_space<vmem>>, vector<16xf32>,
      tpu.vector_store %arg22[%swap3A_468], %max3A_467 {strides = array<i32>} : memref<128xf32, #tpu.memory_space<vmem>>, vector<16xf32>,
      %get3A_470 = arith.constant 112 : index
      %get3A_471 = tpu.vector_load %arg17[%get3A_470] {strides = array<i32>} : memref<128xf32, #tpu.memory_space<vmem>>, vector<16xf32>,
      %add3A_472 = arith.addf %parallel_loop3A_415#7, %get3A_471 : vector<16xf32>
      %max3A_473 = arith.constant 0.000000e+00 : f32
      %max3A_474 = vector.broadcast %max3A_473 : f32 to vector<16xf32>
      %max3A_475 = arith.maximumf %add3A_472, %max3A_474 : vector<16xf32>
      %swap3A_476 = arith.constant 112 : index
      %swap3A_477 = tpu.vector_load %arg22[%swap3A_476] {strides = array<i32>} : memref<128xf32, #tpu.memory_space<vmem>>, vector<16xf32>,
      tpu.vector_store %arg22[%swap3A_476], %max3A_475 {strides = array<i32>} : memref<128xf32, #tpu.memory_space<vmem>>, vector<16xf32>,
      %parallel_loop3A_478 = arith.constant 0 : i32
      %parallel_loop3A_479 = arith.constant 128 : i32
      %parallel_loop3A_480 = arith.constant 1 : i32
      %parallel_loop3A_481:8 = scf.for %parallel_loop3A_594 = %parallel_loop3A_478 to %parallel_loop3A_479 step %parallel_loop3A_480 iter_args(%parallel_loop3A_595 = %broadcast_in_dim3A_379, %parallel_loop3A_596 = %broadcast_in_dim3A_381, %parallel_loop3A_597 = %broadcast_in_dim3A_383, %parallel_loop3A_598 = %broadcast_in_dim3A_385, %parallel_loop3A_599 = %broadcast_in_dim3A_387, %parallel_loop3A_600 = %broadcast_in_dim3A_389, %parallel_loop3A_601 = %broadcast_in_dim3A_391, %parallel_loop3A_602 = %broadcast_in_dim3A_393) -> (vector<16xf32>, vector<16xf32>, vector<16xf32>, vector<16xf32>, vector<16xf32>, vector<16xf32>, vector<16xf32>, vector<16xf32>)  : i32 {
        %parallel_loop3A_603 = vector.broadcast %parallel_loop3A_594 : i32 to vector<16xi32>
        %parallel_loop3A_604 = tpu.vector_load_idx %arg22[%parallel_loop3A_603] : memref<128xf32, #tpu.memory_space<vmem>>[vector<16xi32>], vector<16xf32>,
        %parallel_loop3A_605 = arith.constant 64 : i32
        %parallel_loop3A_606 = arith.muli %parallel_loop3A_594, %parallel_loop3A_605 : i32
        %parallel_loop3A_607 = arith.constant 0 : i32
        %parallel_loop3A_608 = arith.addi %parallel_loop3A_606, %parallel_loop3A_607 : i32
        %parallel_loop3A_609 = arith.index_cast %parallel_loop3A_608 : i32 to index
        %parallel_loop3A_610 = tpu.vector_load %arg15[%parallel_loop3A_609] {strides = array<i32>} : memref<8192xi32, #tpu.memory_space<vmem>>, vector<16xi32>,
        %parallel_loop3A_611 = vector.bitcast %parallel_loop3A_610 : vector<16xi32> to vector<32xbf16>
        %parallel_loop3A_612 = tpu.unpack_subelements %parallel_loop3A_611, 0 {pack_format = #tpu.pack_format<interleaved>} : vector<32xbf16> -> vector<16xf32>
        %parallel_loop3A_613 = tpu.unpack_subelements %parallel_loop3A_611, 1 {pack_format = #tpu.pack_format<interleaved>} : vector<32xbf16> -> vector<16xf32>
        %parallel_loop3A_614 = arith.mulf %parallel_loop3A_604, %parallel_loop3A_612 : vector<16xf32>
        %parallel_loop3A_615 = arith.addf %parallel_loop3A_595, %parallel_loop3A_614 : vector<16xf32>
        %parallel_loop3A_616 = arith.mulf %parallel_loop3A_604, %parallel_loop3A_613 : vector<16xf32>
        %parallel_loop3A_617 = arith.addf %parallel_loop3A_596, %parallel_loop3A_616 : vector<16xf32>
        %parallel_loop3A_618 = arith.constant 64 : i32
        %parallel_loop3A_619 = arith.muli %parallel_loop3A_594, %parallel_loop3A_618 : i32
        %parallel_loop3A_620 = arith.constant 16 : i32
        %parallel_loop3A_621 = arith.addi %parallel_loop3A_619, %parallel_loop3A_620 : i32
        %parallel_loop3A_622 = arith.index_cast %parallel_loop3A_621 : i32 to index
        %parallel_loop3A_623 = tpu.vector_load %arg15[%parallel_loop3A_622] {strides = array<i32>} : memref<8192xi32, #tpu.memory_space<vmem>>, vector<16xi32>,
        %parallel_loop3A_624 = vector.bitcast %parallel_loop3A_623 : vector<16xi32> to vector<32xbf16>
        %parallel_loop3A_625 = tpu.unpack_subelements %parallel_loop3A_624, 0 {pack_format = #tpu.pack_format<interleaved>} : vector<32xbf16> -> vector<16xf32>
        %parallel_loop3A_626 = tpu.unpack_subelements %parallel_loop3A_624, 1 {pack_format = #tpu.pack_format<interleaved>} : vector<32xbf16> -> vector<16xf32>
        %parallel_loop3A_627 = arith.mulf %parallel_loop3A_604, %parallel_loop3A_625 : vector<16xf32>
        %parallel_loop3A_628 = arith.addf %parallel_loop3A_597, %parallel_loop3A_627 : vector<16xf32>
        %parallel_loop3A_629 = arith.mulf %parallel_loop3A_604, %parallel_loop3A_626 : vector<16xf32>
        %parallel_loop3A_630 = arith.addf %parallel_loop3A_598, %parallel_loop3A_629 : vector<16xf32>
        %parallel_loop3A_631 = arith.constant 64 : i32
        %parallel_loop3A_632 = arith.muli %parallel_loop3A_594, %parallel_loop3A_631 : i32
        %parallel_loop3A_633 = arith.constant 32 : i32
        %parallel_loop3A_634 = arith.addi %parallel_loop3A_632, %parallel_loop3A_633 : i32
        %parallel_loop3A_635 = arith.index_cast %parallel_loop3A_634 : i32 to index
        %parallel_loop3A_636 = tpu.vector_load %arg15[%parallel_loop3A_635] {strides = array<i32>} : memref<8192xi32, #tpu.memory_space<vmem>>, vector<16xi32>,
        %parallel_loop3A_637 = vector.bitcast %parallel_loop3A_636 : vector<16xi32> to vector<32xbf16>
        %parallel_loop3A_638 = tpu.unpack_subelements %parallel_loop3A_637, 0 {pack_format = #tpu.pack_format<interleaved>} : vector<32xbf16> -> vector<16xf32>
        %parallel_loop3A_639 = tpu.unpack_subelements %parallel_loop3A_637, 1 {pack_format = #tpu.pack_format<interleaved>} : vector<32xbf16> -> vector<16xf32>
        %parallel_loop3A_640 = arith.mulf %parallel_loop3A_604, %parallel_loop3A_638 : vector<16xf32>
        %parallel_loop3A_641 = arith.addf %parallel_loop3A_599, %parallel_loop3A_640 : vector<16xf32>
        %parallel_loop3A_642 = arith.mulf %parallel_loop3A_604, %parallel_loop3A_639 : vector<16xf32>
        %parallel_loop3A_643 = arith.addf %parallel_loop3A_600, %parallel_loop3A_642 : vector<16xf32>
        %parallel_loop3A_644 = arith.constant 64 : i32
        %parallel_loop3A_645 = arith.muli %parallel_loop3A_594, %parallel_loop3A_644 : i32
        %parallel_loop3A_646 = arith.constant 48 : i32
        %parallel_loop3A_647 = arith.addi %parallel_loop3A_645, %parallel_loop3A_646 : i32
        %parallel_loop3A_648 = arith.index_cast %parallel_loop3A_647 : i32 to index
        %parallel_loop3A_649 = tpu.vector_load %arg15[%parallel_loop3A_648] {strides = array<i32>} : memref<8192xi32, #tpu.memory_space<vmem>>, vector<16xi32>,
        %parallel_loop3A_650 = vector.bitcast %parallel_loop3A_649 : vector<16xi32> to vector<32xbf16>
        %parallel_loop3A_651 = tpu.unpack_subelements %parallel_loop3A_650, 0 {pack_format = #tpu.pack_format<interleaved>} : vector<32xbf16> -> vector<16xf32>
        %parallel_loop3A_652 = tpu.unpack_subelements %parallel_loop3A_650, 1 {pack_format = #tpu.pack_format<interleaved>} : vector<32xbf16> -> vector<16xf32>
        %parallel_loop3A_653 = arith.mulf %parallel_loop3A_604, %parallel_loop3A_651 : vector<16xf32>
        %parallel_loop3A_654 = arith.addf %parallel_loop3A_601, %parallel_loop3A_653 : vector<16xf32>
        %parallel_loop3A_655 = arith.mulf %parallel_loop3A_604, %parallel_loop3A_652 : vector<16xf32>
        %parallel_loop3A_656 = arith.addf %parallel_loop3A_602, %parallel_loop3A_655 : vector<16xf32>
        scf.yield %parallel_loop3A_615, %parallel_loop3A_617, %parallel_loop3A_628, %parallel_loop3A_630, %parallel_loop3A_641, %parallel_loop3A_643, %parallel_loop3A_654, %parallel_loop3A_656 : vector<16xf32>, vector<16xf32>, vector<16xf32>, vector<16xf32>, vector<16xf32>, vector<16xf32>, vector<16xf32>, vector<16xf32>
      } {sc.loop_unroll_factor = 4 : i64, sc.parallel_access}
      %get3A_482 = arith.constant 0 : index
      %get3A_483 = tpu.vector_load %arg20[%get3A_482] {strides = array<i32>} : memref<16xf32, #tpu.memory_space<vmem>>, vector<16xf32>,
      %sub3A = arith.constant 1.000000e+00 : f32
      %sub3A_484 = vector.broadcast %sub3A : f32 to vector<16xf32>
      %sub3A_485 = arith.subf %sub3A_484, %get3A_483 : vector<16xf32>
      %iota3A = tpu.iota {dimensions = array<i32: 0>} : vector<16xi32>
      %broadcast_in_dim3A_486 = vector.broadcast %add3A_337 : i32 to vector<16xi32>
      %gather3A = tpu.vector_load_idx %arg19[%broadcast_in_dim3A_486] : memref<32xi32, #tpu.memory_space<vmem>>[vector<16xi32>], vector<16xi32>,
      %get3A_487 = arith.constant 0 : index
      %get3A_488 = tpu.vector_load %arg18[%get3A_487] {strides = array<i32>} : memref<128xf32, #tpu.memory_space<vmem>>, vector<16xf32>,
      %add3A_489 = arith.addf %parallel_loop3A_481#0, %get3A_488 : vector<16xf32>
      %add3A_490 = arith.constant 0 : i32
      %add3A_491 = vector.broadcast %add3A_490 : i32 to vector<16xi32>
      %add3A_492 = arith.addi %iota3A, %add3A_491 : vector<16xi32>
      %gather3A_493 = tpu.vector_load_idx %arg16[%gather3A, %add3A_492] : memref<64x128xf32, #tpu.memory_space<vmem>>[vector<16xi32>, vector<16xi32>], vector<16xf32>,
      %mul3A_494 = arith.mulf %gather3A_493, %sub3A_485 : vector<16xf32>
      %add3A_495 = arith.addf %mul3A_494, %add3A_489 : vector<16xf32>
      %mul3A_496 = arith.mulf %add3A_495, %get3A_483 : vector<16xf32>
      %get3A_497 = arith.constant 16 : index
      %get3A_498 = tpu.vector_load %arg18[%get3A_497] {strides = array<i32>} : memref<128xf32, #tpu.memory_space<vmem>>, vector<16xf32>,
      %add3A_499 = arith.addf %parallel_loop3A_481#1, %get3A_498 : vector<16xf32>
      %add3A_500 = arith.constant 16 : i32
      %add3A_501 = vector.broadcast %add3A_500 : i32 to vector<16xi32>
      %add3A_502 = arith.addi %iota3A, %add3A_501 : vector<16xi32>
      %gather3A_503 = tpu.vector_load_idx %arg16[%gather3A, %add3A_502] : memref<64x128xf32, #tpu.memory_space<vmem>>[vector<16xi32>, vector<16xi32>], vector<16xf32>,
      %mul3A_504 = arith.mulf %gather3A_503, %sub3A_485 : vector<16xf32>
      %add3A_505 = arith.addf %mul3A_504, %add3A_499 : vector<16xf32>
      %mul3A_506 = arith.mulf %add3A_505, %get3A_483 : vector<16xf32>
      %get3A_507 = arith.constant 32 : index
      %get3A_508 = tpu.vector_load %arg18[%get3A_507] {strides = array<i32>} : memref<128xf32, #tpu.memory_space<vmem>>, vector<16xf32>,
      %add3A_509 = arith.addf %parallel_loop3A_481#2, %get3A_508 : vector<16xf32>
      %add3A_510 = arith.constant 32 : i32
      %add3A_511 = vector.broadcast %add3A_510 : i32 to vector<16xi32>
      %add3A_512 = arith.addi %iota3A, %add3A_511 : vector<16xi32>
      %gather3A_513 = tpu.vector_load_idx %arg16[%gather3A, %add3A_512] : memref<64x128xf32, #tpu.memory_space<vmem>>[vector<16xi32>, vector<16xi32>], vector<16xf32>,
      %mul3A_514 = arith.mulf %gather3A_513, %sub3A_485 : vector<16xf32>
      %add3A_515 = arith.addf %mul3A_514, %add3A_509 : vector<16xf32>
      %mul3A_516 = arith.mulf %add3A_515, %get3A_483 : vector<16xf32>
      %get3A_517 = arith.constant 48 : index
      %get3A_518 = tpu.vector_load %arg18[%get3A_517] {strides = array<i32>} : memref<128xf32, #tpu.memory_space<vmem>>, vector<16xf32>,
      %add3A_519 = arith.addf %parallel_loop3A_481#3, %get3A_518 : vector<16xf32>
      %add3A_520 = arith.constant 48 : i32
      %add3A_521 = vector.broadcast %add3A_520 : i32 to vector<16xi32>
      %add3A_522 = arith.addi %iota3A, %add3A_521 : vector<16xi32>
      %gather3A_523 = tpu.vector_load_idx %arg16[%gather3A, %add3A_522] : memref<64x128xf32, #tpu.memory_space<vmem>>[vector<16xi32>, vector<16xi32>], vector<16xf32>,
      %mul3A_524 = arith.mulf %gather3A_523, %sub3A_485 : vector<16xf32>
      %add3A_525 = arith.addf %mul3A_524, %add3A_519 : vector<16xf32>
      %mul3A_526 = arith.mulf %add3A_525, %get3A_483 : vector<16xf32>
      %get3A_527 = arith.constant 64 : index
      %get3A_528 = tpu.vector_load %arg18[%get3A_527] {strides = array<i32>} : memref<128xf32, #tpu.memory_space<vmem>>, vector<16xf32>,
      %add3A_529 = arith.addf %parallel_loop3A_481#4, %get3A_528 : vector<16xf32>
      %add3A_530 = arith.constant 64 : i32
      %add3A_531 = vector.broadcast %add3A_530 : i32 to vector<16xi32>
      %add3A_532 = arith.addi %iota3A, %add3A_531 : vector<16xi32>
      %gather3A_533 = tpu.vector_load_idx %arg16[%gather3A, %add3A_532] : memref<64x128xf32, #tpu.memory_space<vmem>>[vector<16xi32>, vector<16xi32>], vector<16xf32>,
      %mul3A_534 = arith.mulf %gather3A_533, %sub3A_485 : vector<16xf32>
      %add3A_535 = arith.addf %mul3A_534, %add3A_529 : vector<16xf32>
      %mul3A_536 = arith.mulf %add3A_535, %get3A_483 : vector<16xf32>
      %get3A_537 = arith.constant 80 : index
      %get3A_538 = tpu.vector_load %arg18[%get3A_537] {strides = array<i32>} : memref<128xf32, #tpu.memory_space<vmem>>, vector<16xf32>,
      %add3A_539 = arith.addf %parallel_loop3A_481#5, %get3A_538 : vector<16xf32>
      %add3A_540 = arith.constant 80 : i32
      %add3A_541 = vector.broadcast %add3A_540 : i32 to vector<16xi32>
      %add3A_542 = arith.addi %iota3A, %add3A_541 : vector<16xi32>
      %gather3A_543 = tpu.vector_load_idx %arg16[%gather3A, %add3A_542] : memref<64x128xf32, #tpu.memory_space<vmem>>[vector<16xi32>, vector<16xi32>], vector<16xf32>,
      %mul3A_544 = arith.mulf %gather3A_543, %sub3A_485 : vector<16xf32>
      %add3A_545 = arith.addf %mul3A_544, %add3A_539 : vector<16xf32>
      %mul3A_546 = arith.mulf %add3A_545, %get3A_483 : vector<16xf32>
      %get3A_547 = arith.constant 96 : index
      %get3A_548 = tpu.vector_load %arg18[%get3A_547] {strides = array<i32>} : memref<128xf32, #tpu.memory_space<vmem>>, vector<16xf32>,
      %add3A_549 = arith.addf %parallel_loop3A_481#6, %get3A_548 : vector<16xf32>
      %add3A_550 = arith.constant 96 : i32
      %add3A_551 = vector.broadcast %add3A_550 : i32 to vector<16xi32>
      %add3A_552 = arith.addi %iota3A, %add3A_551 : vector<16xi32>
      %gather3A_553 = tpu.vector_load_idx %arg16[%gather3A, %add3A_552] : memref<64x128xf32, #tpu.memory_space<vmem>>[vector<16xi32>, vector<16xi32>], vector<16xf32>,
      %mul3A_554 = arith.mulf %gather3A_553, %sub3A_485 : vector<16xf32>
      %add3A_555 = arith.addf %mul3A_554, %add3A_549 : vector<16xf32>
      %mul3A_556 = arith.mulf %add3A_555, %get3A_483 : vector<16xf32>
      %get3A_557 = arith.constant 112 : index
      %get3A_558 = tpu.vector_load %arg18[%get3A_557] {strides = array<i32>} : memref<128xf32, #tpu.memory_space<vmem>>, vector<16xf32>,
      %add3A_559 = arith.addf %parallel_loop3A_481#7, %get3A_558 : vector<16xf32>
      %add3A_560 = arith.constant 112 : i32
      %add3A_561 = vector.broadcast %add3A_560 : i32 to vector<16xi32>
      %add3A_562 = arith.addi %iota3A, %add3A_561 : vector<16xi32>
      %gather3A_563 = tpu.vector_load_idx %arg16[%gather3A, %add3A_562] : memref<64x128xf32, #tpu.memory_space<vmem>>[vector<16xi32>, vector<16xi32>], vector<16xf32>,
      %mul3A_564 = arith.mulf %gather3A_563, %sub3A_485 : vector<16xf32>
      %add3A_565 = arith.addf %mul3A_564, %add3A_559 : vector<16xf32>
      %mul3A_566 = arith.mulf %add3A_565, %get3A_483 : vector<16xf32>
      %add3A_567 = arith.constant 8 : i32
      %add3A_568 = arith.addi %add3A_337, %add3A_567 : i32
      %lt3A_569 = arith.constant 32 : i32
      %lt3A_570 = arith.cmpi slt, %add3A_568, %lt3A_569 : i32
      %convert_element_type3A = arith.extui %lt3A_570 : i1 to i32
      %cond3A = arith.constant 0 : i32
      %cond3A_571 = arith.cmpi ne, %convert_element_type3A, %cond3A : i32
      scf.if %cond3A_571 {
        %add3A_594 = arith.constant 8 : i32
        %add3A_595 = arith.addi %add3A_337, %add3A_594 : i32
        %ge3A = arith.constant 4 : i32
        %ge3A_596 = arith.cmpi sge, %add3A_595, %ge3A : i32
        %convert_element_type3A_597 = arith.extui %ge3A_596 : i1 to i32
        %cond3A_598 = arith.constant 0 : i32
        %cond3A_599 = arith.cmpi ne, %convert_element_type3A_597, %cond3A_598 : i32
        scf.if %cond3A_599 {
          %sub3A_648 = arith.constant 4 : i32
          %sub3A_649 = arith.subi %add3A_595, %sub3A_648 : i32
          %jit3A_650 = arith.constant 4 : i32
          %eq3A_651 = arith.constant 0 : i32
          %eq3A_652 = arith.cmpi eq, %jit3A_650, %eq3A_651 : i32
          %jit3A_653 = arith.constant 1 : i32
          %select_n3A_654 = arith.select %eq3A_652, %jit3A_653, %jit3A_650 : i32
          %rem3A_655 = arith.remsi %sub3A_649, %select_n3A_654 : i32
          %ne3A_656 = arith.constant 0 : i32
          %ne3A_657 = arith.cmpi ne, %rem3A_655, %ne3A_656 : i32
          %lt3A_658 = arith.constant 0 : i32
          %lt3A_659 = arith.cmpi slt, %rem3A_655, %lt3A_658 : i32
          %lt3A_660 = arith.constant 0 : i32
          %lt3A_661 = arith.cmpi slt, %select_n3A_654, %lt3A_660 : i32
          %ne3A_662 = arith.xori %lt3A_659, %lt3A_661 : i1
          %and3A_663 = arith.andi %ne3A_662, %ne3A_657 : i1
          %add3A_664 = arith.addi %rem3A_655, %select_n3A_654 : i32
          %select_n3A_665 = arith.select %and3A_663, %add3A_664, %rem3A_655 : i32
          %mul3A_666 = arith.constant 32 : i32
          %mul3A_667 = arith.muli %add3A, %mul3A_666 : i32
          %add3A_668 = arith.addi %mul3A_667, %sub3A_649 : i32
          %mul3A_669 = arith.constant 160 : i32
          %mul3A_670 = arith.muli %add3A_668, %mul3A_669 : i32
          %jit3A_671 = arith.constant 4 : i32
          %eq3A_672 = arith.constant 0 : i32
          %eq3A_673 = arith.cmpi eq, %jit3A_671, %eq3A_672 : i32
          %jit3A_674 = arith.constant 1 : i32
          %select_n3A_675 = arith.select %eq3A_673, %jit3A_674, %jit3A_671 : i32
          %rem3A_676 = arith.remsi %sub3A_649, %select_n3A_675 : i32
          %ne3A_677 = arith.constant 0 : i32
          %ne3A_678 = arith.cmpi ne, %rem3A_676, %ne3A_677 : i32
          %lt3A_679 = arith.constant 0 : i32
          %lt3A_680 = arith.cmpi slt, %rem3A_676, %lt3A_679 : i32
          %lt3A_681 = arith.constant 0 : i32
          %lt3A_682 = arith.cmpi slt, %select_n3A_675, %lt3A_681 : i32
          %ne3A_683 = arith.xori %lt3A_680, %lt3A_682 : i1
          %and3A_684 = arith.andi %ne3A_683, %ne3A_678 : i1
          %add3A_685 = arith.addi %rem3A_676, %select_n3A_675 : i32
          %select_n3A_686 = arith.select %and3A_684, %add3A_685, %rem3A_676 : i32
          %dma_wait3A_687 = arith.constant 0 : i32
          %dma_wait3A_688 = arith.constant 0 : i32
          %dma_wait3A_689 = tpu.memref_slice %arg13[%select_n3A_665, %dma_wait3A_687, %dma_wait3A_688] : memref<4x160x128xf32, #tpu.memory_space<vmem>> -> memref<1x160x128xf32, #tpu.memory_space<vmem>>
          %dma_wait3A_690 = tpu.memref_squeeze %dma_wait3A_689 : memref<1x160x128xf32, #tpu.memory_space<vmem>> -> memref<160x128xf32, #tpu.memory_space<vmem>>
          %dma_wait3A_691 = arith.constant 0 : i32
          %dma_wait3A_692 = tpu.memref_slice %arg11[%mul3A_670, %dma_wait3A_691] : memref<163840x128xf32, #tpu.memory_space<hbm>> -> memref<160x128xf32, #tpu.memory_space<hbm>>
          %dma_wait3A_693 = tpu.memref_slice %arg24[%select_n3A_686] : memref<4x!tpu.dma_semaphore, #tpu.memory_space<semaphore_mem>> -> memref<1x!tpu.dma_semaphore, #tpu.memory_space<semaphore_mem>>
          %dma_wait3A_694 = tpu.memref_squeeze %dma_wait3A_693 : memref<1x!tpu.dma_semaphore, #tpu.memory_space<semaphore_mem>> -> memref<!tpu.dma_semaphore, #tpu.memory_space<semaphore_mem>>
          %dma_wait3A_695 = arith.constant 0 : i32
          %dma_wait3A_696 = tpu.memref_slice %arg11[%mul3A_670, %dma_wait3A_695] : memref<163840x128xf32, #tpu.memory_space<hbm>> -> memref<160x128xf32, #tpu.memory_space<hbm>>
          %dma_wait3A_697 = arith.constant 0 : i32
          %dma_wait3A_698 = arith.constant 0 : i32
          %dma_wait3A_699 = tpu.memref_slice %arg13[%select_n3A_665, %dma_wait3A_697, %dma_wait3A_698] : memref<4x160x128xf32, #tpu.memory_space<vmem>> -> memref<1x160x128xf32, #tpu.memory_space<vmem>>
          %dma_wait3A_700 = tpu.memref_squeeze %dma_wait3A_699 : memref<1x160x128xf32, #tpu.memory_space<vmem>> -> memref<160x128xf32, #tpu.memory_space<vmem>>
          tpu.wait_dma2 semaphore(%dma_wait3A_694 : memref<!tpu.dma_semaphore, #tpu.memory_space<semaphore_mem>>) src(%dma_wait3A_700 : memref<160x128xf32, #tpu.memory_space<vmem>>) dst(%dma_wait3A_696 : memref<160x128xf32, #tpu.memory_space<hbm>>)
        } else {
        }
        %jit3A_600 = arith.constant 4 : i32
        %eq3A_601 = arith.constant 0 : i32
        %eq3A_602 = arith.cmpi eq, %jit3A_600, %eq3A_601 : i32
        %jit3A_603 = arith.constant 1 : i32
        %select_n3A_604 = arith.select %eq3A_602, %jit3A_603, %jit3A_600 : i32
        %rem3A_605 = arith.remsi %add3A_595, %select_n3A_604 : i32
        %ne3A_606 = arith.constant 0 : i32
        %ne3A_607 = arith.cmpi ne, %rem3A_605, %ne3A_606 : i32
        %lt3A_608 = arith.constant 0 : i32
        %lt3A_609 = arith.cmpi slt, %rem3A_605, %lt3A_608 : i32
        %lt3A_610 = arith.constant 0 : i32
        %lt3A_611 = arith.cmpi slt, %select_n3A_604, %lt3A_610 : i32
        %ne3A_612 = arith.xori %lt3A_609, %lt3A_611 : i1
        %and3A_613 = arith.andi %ne3A_612, %ne3A_607 : i1
        %add3A_614 = arith.addi %rem3A_605, %select_n3A_604 : i32
        %select_n3A_615 = arith.select %and3A_613, %add3A_614, %rem3A_605 : i32
        %mul3A_616 = arith.constant 2 : i32
        %mul3A_617 = arith.muli %mul3A_616, %add3A_595 : i32
        %add3A_618 = arith.constant 0 : i32
        %add3A_619 = arith.addi %mul3A_617, %add3A_618 : i32
        %dma_start3A_620 = arith.constant 0 : i32
        %dma_start3A_621 = arith.constant 0 : i32
        %dma_start3A_622 = tpu.memref_slice %arg13[%select_n3A_615, %dma_start3A_620, %dma_start3A_621] : memref<4x160x128xf32, #tpu.memory_space<vmem>> -> memref<1x80x128xf32, #tpu.memory_space<vmem>>
        %dma_start3A_623 = tpu.memref_squeeze %dma_start3A_622 : memref<1x80x128xf32, #tpu.memory_space<vmem>> -> memref<80x128xf32, #tpu.memory_space<vmem>>
        %dma_start3A_624 = arith.constant 0 : i32
        %dma_start3A_625 = tpu.memref_slice %arg12[%add3A_619, %dma_start3A_624] : memref<64x80xi32, #tpu.memory_space<vmem>> -> memref<1x80xi32, #tpu.memory_space<vmem>>
        %dma_start3A_626 = tpu.memref_squeeze %dma_start3A_625 : memref<1x80xi32, #tpu.memory_space<vmem>> -> memref<80xi32, #tpu.memory_space<vmem>>
        %dma_start3A_627 = arith.constant 0 : i32
        %dma_start3A_628 = arith.constant 0 : i32
        %dma_start3A_629 = tpu.memref_slice %arg4[%dma_start3A_627, %dma_start3A_628] : memref<100000x128xf32, #tpu.memory_space<hbm>> -> memref<100000x128xf32, #tpu.memory_space<hbm>>
        %dma_start3A_630 = tpu.memref_slice %arg23[%select_n3A_615] : memref<4x!tpu.dma_semaphore, #tpu.memory_space<semaphore_mem>> -> memref<1x!tpu.dma_semaphore, #tpu.memory_space<semaphore_mem>>
        %dma_start3A_631 = tpu.memref_squeeze %dma_start3A_630 : memref<1x!tpu.dma_semaphore, #tpu.memory_space<semaphore_mem>> -> memref<!tpu.dma_semaphore, #tpu.memory_space<semaphore_mem>>
        tpu.enqueue_indirect_dma source(%dma_start3A_629 : memref<100000x128xf32, #tpu.memory_space<hbm>>) target(%dma_start3A_623 : memref<80x128xf32, #tpu.memory_space<vmem>>) offsets(%dma_start3A_626 : memref<80xi32, #tpu.memory_space<vmem>>) semaphore(%dma_start3A_631 : memref<!tpu.dma_semaphore, #tpu.memory_space<semaphore_mem>>)
        %mul3A_632 = arith.constant 2 : i32
        %mul3A_633 = arith.muli %mul3A_632, %add3A_595 : i32
        %add3A_634 = arith.constant 1 : i32
        %add3A_635 = arith.addi %mul3A_633, %add3A_634 : i32
        %dma_start3A_636 = arith.constant 80 : i32
        %dma_start3A_637 = arith.constant 0 : i32
        %dma_start3A_638 = tpu.memref_slice %arg13[%select_n3A_615, %dma_start3A_636, %dma_start3A_637] : memref<4x160x128xf32, #tpu.memory_space<vmem>> -> memref<1x80x128xf32, #tpu.memory_space<vmem>>
        %dma_start3A_639 = tpu.memref_squeeze %dma_start3A_638 : memref<1x80x128xf32, #tpu.memory_space<vmem>> -> memref<80x128xf32, #tpu.memory_space<vmem>>
        %dma_start3A_640 = arith.constant 0 : i32
        %dma_start3A_641 = tpu.memref_slice %arg12[%add3A_635, %dma_start3A_640] : memref<64x80xi32, #tpu.memory_space<vmem>> -> memref<1x80xi32, #tpu.memory_space<vmem>>
        %dma_start3A_642 = tpu.memref_squeeze %dma_start3A_641 : memref<1x80xi32, #tpu.memory_space<vmem>> -> memref<80xi32, #tpu.memory_space<vmem>>
        %dma_start3A_643 = arith.constant 0 : i32
        %dma_start3A_644 = arith.constant 0 : i32
        %dma_start3A_645 = tpu.memref_slice %arg4[%dma_start3A_643, %dma_start3A_644] : memref<100000x128xf32, #tpu.memory_space<hbm>> -> memref<100000x128xf32, #tpu.memory_space<hbm>>
        %dma_start3A_646 = tpu.memref_slice %arg23[%select_n3A_615] : memref<4x!tpu.dma_semaphore, #tpu.memory_space<semaphore_mem>> -> memref<1x!tpu.dma_semaphore, #tpu.memory_space<semaphore_mem>>
        %dma_start3A_647 = tpu.memref_squeeze %dma_start3A_646 : memref<1x!tpu.dma_semaphore, #tpu.memory_space<semaphore_mem>> -> memref<!tpu.dma_semaphore, #tpu.memory_space<semaphore_mem>>
        tpu.enqueue_indirect_dma source(%dma_start3A_645 : memref<100000x128xf32, #tpu.memory_space<hbm>>) target(%dma_start3A_639 : memref<80x128xf32, #tpu.memory_space<vmem>>) offsets(%dma_start3A_642 : memref<80xi32, #tpu.memory_space<vmem>>) semaphore(%dma_start3A_647 : memref<!tpu.dma_semaphore, #tpu.memory_space<semaphore_mem>>)
      } else {
      }
      %parallel_loop3A_572 = arith.constant 0 : i32
      %parallel_loop3A_573 = arith.constant 160 : i32
      %parallel_loop3A_574 = arith.constant 1 : i32
      scf.for %parallel_loop3A_594 = %parallel_loop3A_572 to %parallel_loop3A_573 step %parallel_loop3A_574  : i32 {
        %parallel_loop3A_595 = arith.index_cast %select_n3A_346 : i32 to index
        %parallel_loop3A_596 = arith.index_cast %parallel_loop3A_594 : i32 to index
        %parallel_loop3A_597 = arith.constant 0 : index
        %parallel_loop3A_598 = tpu.vector_load %arg13[%parallel_loop3A_595, %parallel_loop3A_596, %parallel_loop3A_597] {strides = array<i32>} : memref<4x160x128xf32, #tpu.memory_space<vmem>>, vector<16xf32>,
        %parallel_loop3A_599 = arith.addf %parallel_loop3A_598, %mul3A_496 : vector<16xf32>
        %parallel_loop3A_600 = arith.index_cast %select_n3A_346 : i32 to index
        %parallel_loop3A_601 = arith.index_cast %parallel_loop3A_594 : i32 to index
        %parallel_loop3A_602 = arith.constant 0 : index
        %parallel_loop3A_603 = tpu.vector_load %arg13[%parallel_loop3A_600, %parallel_loop3A_601, %parallel_loop3A_602] {strides = array<i32>} : memref<4x160x128xf32, #tpu.memory_space<vmem>>, vector<16xf32>,
        tpu.vector_store %arg13[%parallel_loop3A_600, %parallel_loop3A_601, %parallel_loop3A_602], %parallel_loop3A_599 {strides = array<i32>} : memref<4x160x128xf32, #tpu.memory_space<vmem>>, vector<16xf32>,
        %parallel_loop3A_604 = arith.index_cast %select_n3A_346 : i32 to index
        %parallel_loop3A_605 = arith.index_cast %parallel_loop3A_594 : i32 to index
        %parallel_loop3A_606 = arith.constant 16 : index
        %parallel_loop3A_607 = tpu.vector_load %arg13[%parallel_loop3A_604, %parallel_loop3A_605, %parallel_loop3A_606] {strides = array<i32>} : memref<4x160x128xf32, #tpu.memory_space<vmem>>, vector<16xf32>,
        %parallel_loop3A_608 = arith.addf %parallel_loop3A_607, %mul3A_506 : vector<16xf32>
        %parallel_loop3A_609 = arith.index_cast %select_n3A_346 : i32 to index
        %parallel_loop3A_610 = arith.index_cast %parallel_loop3A_594 : i32 to index
        %parallel_loop3A_611 = arith.constant 16 : index
        %parallel_loop3A_612 = tpu.vector_load %arg13[%parallel_loop3A_609, %parallel_loop3A_610, %parallel_loop3A_611] {strides = array<i32>} : memref<4x160x128xf32, #tpu.memory_space<vmem>>, vector<16xf32>,
        tpu.vector_store %arg13[%parallel_loop3A_609, %parallel_loop3A_610, %parallel_loop3A_611], %parallel_loop3A_608 {strides = array<i32>} : memref<4x160x128xf32, #tpu.memory_space<vmem>>, vector<16xf32>,
        %parallel_loop3A_613 = arith.index_cast %select_n3A_346 : i32 to index
        %parallel_loop3A_614 = arith.index_cast %parallel_loop3A_594 : i32 to index
        %parallel_loop3A_615 = arith.constant 32 : index
        %parallel_loop3A_616 = tpu.vector_load %arg13[%parallel_loop3A_613, %parallel_loop3A_614, %parallel_loop3A_615] {strides = array<i32>} : memref<4x160x128xf32, #tpu.memory_space<vmem>>, vector<16xf32>,
        %parallel_loop3A_617 = arith.addf %parallel_loop3A_616, %mul3A_516 : vector<16xf32>
        %parallel_loop3A_618 = arith.index_cast %select_n3A_346 : i32 to index
        %parallel_loop3A_619 = arith.index_cast %parallel_loop3A_594 : i32 to index
        %parallel_loop3A_620 = arith.constant 32 : index
        %parallel_loop3A_621 = tpu.vector_load %arg13[%parallel_loop3A_618, %parallel_loop3A_619, %parallel_loop3A_620] {strides = array<i32>} : memref<4x160x128xf32, #tpu.memory_space<vmem>>, vector<16xf32>,
        tpu.vector_store %arg13[%parallel_loop3A_618, %parallel_loop3A_619, %parallel_loop3A_620], %parallel_loop3A_617 {strides = array<i32>} : memref<4x160x128xf32, #tpu.memory_space<vmem>>, vector<16xf32>,
        %parallel_loop3A_622 = arith.index_cast %select_n3A_346 : i32 to index
        %parallel_loop3A_623 = arith.index_cast %parallel_loop3A_594 : i32 to index
        %parallel_loop3A_624 = arith.constant 48 : index
        %parallel_loop3A_625 = tpu.vector_load %arg13[%parallel_loop3A_622, %parallel_loop3A_623, %parallel_loop3A_624] {strides = array<i32>} : memref<4x160x128xf32, #tpu.memory_space<vmem>>, vector<16xf32>,
        %parallel_loop3A_626 = arith.addf %parallel_loop3A_625, %mul3A_526 : vector<16xf32>
        %parallel_loop3A_627 = arith.index_cast %select_n3A_346 : i32 to index
        %parallel_loop3A_628 = arith.index_cast %parallel_loop3A_594 : i32 to index
        %parallel_loop3A_629 = arith.constant 48 : index
        %parallel_loop3A_630 = tpu.vector_load %arg13[%parallel_loop3A_627, %parallel_loop3A_628, %parallel_loop3A_629] {strides = array<i32>} : memref<4x160x128xf32, #tpu.memory_space<vmem>>, vector<16xf32>,
        tpu.vector_store %arg13[%parallel_loop3A_627, %parallel_loop3A_628, %parallel_loop3A_629], %parallel_loop3A_626 {strides = array<i32>} : memref<4x160x128xf32, #tpu.memory_space<vmem>>, vector<16xf32>,
        %parallel_loop3A_631 = arith.index_cast %select_n3A_346 : i32 to index
        %parallel_loop3A_632 = arith.index_cast %parallel_loop3A_594 : i32 to index
        %parallel_loop3A_633 = arith.constant 64 : index
        %parallel_loop3A_634 = tpu.vector_load %arg13[%parallel_loop3A_631, %parallel_loop3A_632, %parallel_loop3A_633] {strides = array<i32>} : memref<4x160x128xf32, #tpu.memory_space<vmem>>, vector<16xf32>,
        %parallel_loop3A_635 = arith.addf %parallel_loop3A_634, %mul3A_536 : vector<16xf32>
        %parallel_loop3A_636 = arith.index_cast %select_n3A_346 : i32 to index
        %parallel_loop3A_637 = arith.index_cast %parallel_loop3A_594 : i32 to index
        %parallel_loop3A_638 = arith.constant 64 : index
        %parallel_loop3A_639 = tpu.vector_load %arg13[%parallel_loop3A_636, %parallel_loop3A_637, %parallel_loop3A_638] {strides = array<i32>} : memref<4x160x128xf32, #tpu.memory_space<vmem>>, vector<16xf32>,
        tpu.vector_store %arg13[%parallel_loop3A_636, %parallel_loop3A_637, %parallel_loop3A_638], %parallel_loop3A_635 {strides = array<i32>} : memref<4x160x128xf32, #tpu.memory_space<vmem>>, vector<16xf32>,
        %parallel_loop3A_640 = arith.index_cast %select_n3A_346 : i32 to index
        %parallel_loop3A_641 = arith.index_cast %parallel_loop3A_594 : i32 to index
        %parallel_loop3A_642 = arith.constant 80 : index
        %parallel_loop3A_643 = tpu.vector_load %arg13[%parallel_loop3A_640, %parallel_loop3A_641, %parallel_loop3A_642] {strides = array<i32>} : memref<4x160x128xf32, #tpu.memory_space<vmem>>, vector<16xf32>,
        %parallel_loop3A_644 = arith.addf %parallel_loop3A_643, %mul3A_546 : vector<16xf32>
        %parallel_loop3A_645 = arith.index_cast %select_n3A_346 : i32 to index
        %parallel_loop3A_646 = arith.index_cast %parallel_loop3A_594 : i32 to index
        %parallel_loop3A_647 = arith.constant 80 : index
        %parallel_loop3A_648 = tpu.vector_load %arg13[%parallel_loop3A_645, %parallel_loop3A_646, %parallel_loop3A_647] {strides = array<i32>} : memref<4x160x128xf32, #tpu.memory_space<vmem>>, vector<16xf32>,
        tpu.vector_store %arg13[%parallel_loop3A_645, %parallel_loop3A_646, %parallel_loop3A_647], %parallel_loop3A_644 {strides = array<i32>} : memref<4x160x128xf32, #tpu.memory_space<vmem>>, vector<16xf32>,
        %parallel_loop3A_649 = arith.index_cast %select_n3A_346 : i32 to index
        %parallel_loop3A_650 = arith.index_cast %parallel_loop3A_594 : i32 to index
        %parallel_loop3A_651 = arith.constant 96 : index
        %parallel_loop3A_652 = tpu.vector_load %arg13[%parallel_loop3A_649, %parallel_loop3A_650, %parallel_loop3A_651] {strides = array<i32>} : memref<4x160x128xf32, #tpu.memory_space<vmem>>, vector<16xf32>,
        %parallel_loop3A_653 = arith.addf %parallel_loop3A_652, %mul3A_556 : vector<16xf32>
        %parallel_loop3A_654 = arith.index_cast %select_n3A_346 : i32 to index
        %parallel_loop3A_655 = arith.index_cast %parallel_loop3A_594 : i32 to index
        %parallel_loop3A_656 = arith.constant 96 : index
        %parallel_loop3A_657 = tpu.vector_load %arg13[%parallel_loop3A_654, %parallel_loop3A_655, %parallel_loop3A_656] {strides = array<i32>} : memref<4x160x128xf32, #tpu.memory_space<vmem>>, vector<16xf32>,
        tpu.vector_store %arg13[%parallel_loop3A_654, %parallel_loop3A_655, %parallel_loop3A_656], %parallel_loop3A_653 {strides = array<i32>} : memref<4x160x128xf32, #tpu.memory_space<vmem>>, vector<16xf32>,
        %parallel_loop3A_658 = arith.index_cast %select_n3A_346 : i32 to index
        %parallel_loop3A_659 = arith.index_cast %parallel_loop3A_594 : i32 to index
        %parallel_loop3A_660 = arith.constant 112 : index
        %parallel_loop3A_661 = tpu.vector_load %arg13[%parallel_loop3A_658, %parallel_loop3A_659, %parallel_loop3A_660] {strides = array<i32>} : memref<4x160x128xf32, #tpu.memory_space<vmem>>, vector<16xf32>,
        %parallel_loop3A_662 = arith.addf %parallel_loop3A_661, %mul3A_566 : vector<16xf32>
        %parallel_loop3A_663 = arith.index_cast %select_n3A_346 : i32 to index
        %parallel_loop3A_664 = arith.index_cast %parallel_loop3A_594 : i32 to index
        %parallel_loop3A_665 = arith.constant 112 : index
        %parallel_loop3A_666 = tpu.vector_load %arg13[%parallel_loop3A_663, %parallel_loop3A_664, %parallel_loop3A_665] {strides = array<i32>} : memref<4x160x128xf32, #tpu.memory_space<vmem>>, vector<16xf32>,
        tpu.vector_store %arg13[%parallel_loop3A_663, %parallel_loop3A_664, %parallel_loop3A_665], %parallel_loop3A_662 {strides = array<i32>} : memref<4x160x128xf32, #tpu.memory_space<vmem>>, vector<16xf32>,
      } {sc.loop_unroll_factor = 4 : i64, sc.parallel_access}
      %mul3A_575 = arith.constant 32 : i32
      %mul3A_576 = arith.muli %add3A, %mul3A_575 : i32
      %add3A_577 = arith.addi %mul3A_576, %add3A_337 : i32
      %mul3A_578 = arith.constant 160 : i32
      %mul3A_579 = arith.muli %add3A_577, %mul3A_578 : i32
      %dma_start3A_580 = arith.constant 0 : i32
      %dma_start3A_581 = arith.constant 0 : i32
      %dma_start3A_582 = tpu.memref_slice %arg13[%select_n3A_346, %dma_start3A_580, %dma_start3A_581] : memref<4x160x128xf32, #tpu.memory_space<vmem>> -> memref<1x160x128xf32, #tpu.memory_space<vmem>>
      %dma_start3A_583 = tpu.memref_squeeze %dma_start3A_582 : memref<1x160x128xf32, #tpu.memory_space<vmem>> -> memref<160x128xf32, #tpu.memory_space<vmem>>
      %dma_start3A_584 = arith.constant 0 : i32
      %dma_start3A_585 = tpu.memref_slice %arg11[%mul3A_579, %dma_start3A_584] : memref<163840x128xf32, #tpu.memory_space<hbm>> -> memref<160x128xf32, #tpu.memory_space<hbm>>
      %dma_start3A_586 = tpu.memref_slice %arg24[%select_n3A_346] : memref<4x!tpu.dma_semaphore, #tpu.memory_space<semaphore_mem>> -> memref<1x!tpu.dma_semaphore, #tpu.memory_space<semaphore_mem>>
      %dma_start3A_587 = tpu.memref_squeeze %dma_start3A_586 : memref<1x!tpu.dma_semaphore, #tpu.memory_space<semaphore_mem>> -> memref<!tpu.dma_semaphore, #tpu.memory_space<semaphore_mem>>
      %dma_start3A_588 = arith.constant 0 : i32
      %dma_start3A_589 = tpu.memref_slice %arg11[%mul3A_579, %dma_start3A_588] : memref<163840x128xf32, #tpu.memory_space<hbm>> -> memref<160x128xf32, #tpu.memory_space<hbm>>
      %dma_start3A_590 = arith.constant 0 : i32
      %dma_start3A_591 = arith.constant 0 : i32
      %dma_start3A_592 = tpu.memref_slice %arg13[%select_n3A_346, %dma_start3A_590, %dma_start3A_591] : memref<4x160x128xf32, #tpu.memory_space<vmem>> -> memref<1x160x128xf32, #tpu.memory_space<vmem>>
      %dma_start3A_593 = tpu.memref_squeeze %dma_start3A_592 : memref<1x160x128xf32, #tpu.memory_space<vmem>> -> memref<160x128xf32, #tpu.memory_space<vmem>>
      tpu.enqueue_dma source(%dma_start3A_593 : memref<160x128xf32, #tpu.memory_space<vmem>>) target(%dma_start3A_589 : memref<160x128xf32, #tpu.memory_space<hbm>>) target_semaphore(%dma_start3A_587 : memref<!tpu.dma_semaphore, #tpu.memory_space<semaphore_mem>>)
    }
    %scan3A_245 = arith.constant 32 : i32
    %mul3A_246 = arith.constant 32 : i32
    %mul3A_247 = arith.muli %add3A, %mul3A_246 : i32
    %add3A_248 = arith.constant 28 : i32
    %add3A_249 = arith.addi %mul3A_247, %add3A_248 : i32
    %mul3A_250 = arith.constant 160 : i32
    %mul3A_251 = arith.muli %add3A_249, %mul3A_250 : i32
    %dma_wait3A = arith.constant 0 : i32
    %dma_wait3A_252 = arith.constant 0 : i32
    %dma_wait3A_253 = arith.constant 0 : i32
    %dma_wait3A_254 = arith.constant 0 : i32
    %dma_wait3A_255 = tpu.memref_slice %arg13[%dma_wait3A, %dma_wait3A_253, %dma_wait3A_254] : memref<4x160x128xf32, #tpu.memory_space<vmem>> -> memref<1x160x128xf32, #tpu.memory_space<vmem>>
    %dma_wait3A_256 = tpu.memref_squeeze %dma_wait3A_255 : memref<1x160x128xf32, #tpu.memory_space<vmem>> -> memref<160x128xf32, #tpu.memory_space<vmem>>
    %dma_wait3A_257 = arith.constant 0 : i32
    %dma_wait3A_258 = tpu.memref_slice %arg11[%mul3A_251, %dma_wait3A_257] : memref<163840x128xf32, #tpu.memory_space<hbm>> -> memref<160x128xf32, #tpu.memory_space<hbm>>
    %dma_wait3A_259 = tpu.memref_slice %arg24[%dma_wait3A_252] : memref<4x!tpu.dma_semaphore, #tpu.memory_space<semaphore_mem>> -> memref<1x!tpu.dma_semaphore, #tpu.memory_space<semaphore_mem>>
    %dma_wait3A_260 = tpu.memref_squeeze %dma_wait3A_259 : memref<1x!tpu.dma_semaphore, #tpu.memory_space<semaphore_mem>> -> memref<!tpu.dma_semaphore, #tpu.memory_space<semaphore_mem>>
    %dma_wait3A_261 = arith.constant 0 : i32
    %dma_wait3A_262 = tpu.memref_slice %arg11[%mul3A_251, %dma_wait3A_261] : memref<163840x128xf32, #tpu.memory_space<hbm>> -> memref<160x128xf32, #tpu.memory_space<hbm>>
    %dma_wait3A_263 = arith.constant 0 : i32
    %dma_wait3A_264 = arith.constant 0 : i32
    %dma_wait3A_265 = tpu.memref_slice %arg13[%dma_wait3A, %dma_wait3A_263, %dma_wait3A_264] : memref<4x160x128xf32, #tpu.memory_space<vmem>> -> memref<1x160x128xf32, #tpu.memory_space<vmem>>
    %dma_wait3A_266 = tpu.memref_squeeze %dma_wait3A_265 : memref<1x160x128xf32, #tpu.memory_space<vmem>> -> memref<160x128xf32, #tpu.memory_space<vmem>>
    tpu.wait_dma2 semaphore(%dma_wait3A_260 : memref<!tpu.dma_semaphore, #tpu.memory_space<semaphore_mem>>) src(%dma_wait3A_266 : memref<160x128xf32, #tpu.memory_space<vmem>>) dst(%dma_wait3A_262 : memref<160x128xf32, #tpu.memory_space<hbm>>)
    %mul3A_267 = arith.constant 32 : i32
    %mul3A_268 = arith.muli %add3A, %mul3A_267 : i32
    %add3A_269 = arith.constant 29 : i32
    %add3A_270 = arith.addi %mul3A_268, %add3A_269 : i32
    %mul3A_271 = arith.constant 160 : i32
    %mul3A_272 = arith.muli %add3A_270, %mul3A_271 : i32
    %dma_wait3A_273 = arith.constant 1 : i32
    %dma_wait3A_274 = arith.constant 1 : i32
    %dma_wait3A_275 = arith.constant 0 : i32
    %dma_wait3A_276 = arith.constant 0 : i32
    %dma_wait3A_277 = tpu.memref_slice %arg13[%dma_wait3A_273, %dma_wait3A_275, %dma_wait3A_276] : memref<4x160x128xf32, #tpu.memory_space<vmem>> -> memref<1x160x128xf32, #tpu.memory_space<vmem>>
    %dma_wait3A_278 = tpu.memref_squeeze %dma_wait3A_277 : memref<1x160x128xf32, #tpu.memory_space<vmem>> -> memref<160x128xf32, #tpu.memory_space<vmem>>
    %dma_wait3A_279 = arith.constant 0 : i32
    %dma_wait3A_280 = tpu.memref_slice %arg11[%mul3A_272, %dma_wait3A_279] : memref<163840x128xf32, #tpu.memory_space<hbm>> -> memref<160x128xf32, #tpu.memory_space<hbm>>
    %dma_wait3A_281 = tpu.memref_slice %arg24[%dma_wait3A_274] : memref<4x!tpu.dma_semaphore, #tpu.memory_space<semaphore_mem>> -> memref<1x!tpu.dma_semaphore, #tpu.memory_space<semaphore_mem>>
    %dma_wait3A_282 = tpu.memref_squeeze %dma_wait3A_281 : memref<1x!tpu.dma_semaphore, #tpu.memory_space<semaphore_mem>> -> memref<!tpu.dma_semaphore, #tpu.memory_space<semaphore_mem>>
    %dma_wait3A_283 = arith.constant 0 : i32
    %dma_wait3A_284 = tpu.memref_slice %arg11[%mul3A_272, %dma_wait3A_283] : memref<163840x128xf32, #tpu.memory_space<hbm>> -> memref<160x128xf32, #tpu.memory_space<hbm>>
    %dma_wait3A_285 = arith.constant 0 : i32
    %dma_wait3A_286 = arith.constant 0 : i32
    %dma_wait3A_287 = tpu.memref_slice %arg13[%dma_wait3A_273, %dma_wait3A_285, %dma_wait3A_286] : memref<4x160x128xf32, #tpu.memory_space<vmem>> -> memref<1x160x128xf32, #tpu.memory_space<vmem>>
    %dma_wait3A_288 = tpu.memref_squeeze %dma_wait3A_287 : memref<1x160x128xf32, #tpu.memory_space<vmem>> -> memref<160x128xf32, #tpu.memory_space<vmem>>
    tpu.wait_dma2 semaphore(%dma_wait3A_282 : memref<!tpu.dma_semaphore, #tpu.memory_space<semaphore_mem>>) src(%dma_wait3A_288 : memref<160x128xf32, #tpu.memory_space<vmem>>) dst(%dma_wait3A_284 : memref<160x128xf32, #tpu.memory_space<hbm>>)
    %mul3A_289 = arith.constant 32 : i32
    %mul3A_290 = arith.muli %add3A, %mul3A_289 : i32
    %add3A_291 = arith.constant 30 : i32
    %add3A_292 = arith.addi %mul3A_290, %add3A_291 : i32
    %mul3A_293 = arith.constant 160 : i32
    %mul3A_294 = arith.muli %add3A_292, %mul3A_293 : i32
    %dma_wait3A_295 = arith.constant 2 : i32
    %dma_wait3A_296 = arith.constant 2 : i32
    %dma_wait3A_297 = arith.constant 0 : i32
    %dma_wait3A_298 = arith.constant 0 : i32
    %dma_wait3A_299 = tpu.memref_slice %arg13[%dma_wait3A_295, %dma_wait3A_297, %dma_wait3A_298] : memref<4x160x128xf32, #tpu.memory_space<vmem>> -> memref<1x160x128xf32, #tpu.memory_space<vmem>>
    %dma_wait3A_300 = tpu.memref_squeeze %dma_wait3A_299 : memref<1x160x128xf32, #tpu.memory_space<vmem>> -> memref<160x128xf32, #tpu.memory_space<vmem>>
    %dma_wait3A_301 = arith.constant 0 : i32
    %dma_wait3A_302 = tpu.memref_slice %arg11[%mul3A_294, %dma_wait3A_301] : memref<163840x128xf32, #tpu.memory_space<hbm>> -> memref<160x128xf32, #tpu.memory_space<hbm>>
    %dma_wait3A_303 = tpu.memref_slice %arg24[%dma_wait3A_296] : memref<4x!tpu.dma_semaphore, #tpu.memory_space<semaphore_mem>> -> memref<1x!tpu.dma_semaphore, #tpu.memory_space<semaphore_mem>>
    %dma_wait3A_304 = tpu.memref_squeeze %dma_wait3A_303 : memref<1x!tpu.dma_semaphore, #tpu.memory_space<semaphore_mem>> -> memref<!tpu.dma_semaphore, #tpu.memory_space<semaphore_mem>>
    %dma_wait3A_305 = arith.constant 0 : i32
    %dma_wait3A_306 = tpu.memref_slice %arg11[%mul3A_294, %dma_wait3A_305] : memref<163840x128xf32, #tpu.memory_space<hbm>> -> memref<160x128xf32, #tpu.memory_space<hbm>>
    %dma_wait3A_307 = arith.constant 0 : i32
    %dma_wait3A_308 = arith.constant 0 : i32
    %dma_wait3A_309 = tpu.memref_slice %arg13[%dma_wait3A_295, %dma_wait3A_307, %dma_wait3A_308] : memref<4x160x128xf32, #tpu.memory_space<vmem>> -> memref<1x160x128xf32, #tpu.memory_space<vmem>>
    %dma_wait3A_310 = tpu.memref_squeeze %dma_wait3A_309 : memref<1x160x128xf32, #tpu.memory_space<vmem>> -> memref<160x128xf32, #tpu.memory_space<vmem>>
    tpu.wait_dma2 semaphore(%dma_wait3A_304 : memref<!tpu.dma_semaphore, #tpu.memory_space<semaphore_mem>>) src(%dma_wait3A_310 : memref<160x128xf32, #tpu.memory_space<vmem>>) dst(%dma_wait3A_306 : memref<160x128xf32, #tpu.memory_space<hbm>>)
    %mul3A_311 = arith.constant 32 : i32
    %mul3A_312 = arith.muli %add3A, %mul3A_311 : i32
    %add3A_313 = arith.constant 31 : i32
    %add3A_314 = arith.addi %mul3A_312, %add3A_313 : i32
    %mul3A_315 = arith.constant 160 : i32
    %mul3A_316 = arith.muli %add3A_314, %mul3A_315 : i32
    %dma_wait3A_317 = arith.constant 3 : i32
    %dma_wait3A_318 = arith.constant 3 : i32
    %dma_wait3A_319 = arith.constant 0 : i32
    %dma_wait3A_320 = arith.constant 0 : i32
    %dma_wait3A_321 = tpu.memref_slice %arg13[%dma_wait3A_317, %dma_wait3A_319, %dma_wait3A_320] : memref<4x160x128xf32, #tpu.memory_space<vmem>> -> memref<1x160x128xf32, #tpu.memory_space<vmem>>
    %dma_wait3A_322 = tpu.memref_squeeze %dma_wait3A_321 : memref<1x160x128xf32, #tpu.memory_space<vmem>> -> memref<160x128xf32, #tpu.memory_space<vmem>>
    %dma_wait3A_323 = arith.constant 0 : i32
    %dma_wait3A_324 = tpu.memref_slice %arg11[%mul3A_316, %dma_wait3A_323] : memref<163840x128xf32, #tpu.memory_space<hbm>> -> memref<160x128xf32, #tpu.memory_space<hbm>>
    %dma_wait3A_325 = tpu.memref_slice %arg24[%dma_wait3A_318] : memref<4x!tpu.dma_semaphore, #tpu.memory_space<semaphore_mem>> -> memref<1x!tpu.dma_semaphore, #tpu.memory_space<semaphore_mem>>
    %dma_wait3A_326 = tpu.memref_squeeze %dma_wait3A_325 : memref<1x!tpu.dma_semaphore, #tpu.memory_space<semaphore_mem>> -> memref<!tpu.dma_semaphore, #tpu.memory_space<semaphore_mem>>
    %dma_wait3A_327 = arith.constant 0 : i32
    %dma_wait3A_328 = tpu.memref_slice %arg11[%mul3A_316, %dma_wait3A_327] : memref<163840x128xf32, #tpu.memory_space<hbm>> -> memref<160x128xf32, #tpu.memory_space<hbm>>
    %dma_wait3A_329 = arith.constant 0 : i32
    %dma_wait3A_330 = arith.constant 0 : i32
    %dma_wait3A_331 = tpu.memref_slice %arg13[%dma_wait3A_317, %dma_wait3A_329, %dma_wait3A_330] : memref<4x160x128xf32, #tpu.memory_space<vmem>> -> memref<1x160x128xf32, #tpu.memory_space<vmem>>
    %dma_wait3A_332 = tpu.memref_squeeze %dma_wait3A_331 : memref<1x160x128xf32, #tpu.memory_space<vmem>> -> memref<160x128xf32, #tpu.memory_space<vmem>>
    tpu.wait_dma2 semaphore(%dma_wait3A_326 : memref<!tpu.dma_semaphore, #tpu.memory_space<semaphore_mem>>) src(%dma_wait3A_332 : memref<160x128xf32, #tpu.memory_space<vmem>>) dst(%dma_wait3A_328 : memref<160x128xf32, #tpu.memory_space<hbm>>)
    return
  }
}

</mosaic_0001>

<sc_bundles>
// kernel: kernel.3.cloned.1.call-start
scs
__scs_entry_jumppad:
0x0: {  	(pc) =	sbr.rel $0x88, $3  }
0x1: {  	(tag) =	ssettag $0x0;
	lr =	simm.s32 $0x1  }
0x2: {  	[smem:$0x3F98] =	sst lr;
	_ =	strace $0xD0000000  }
0x3: {  	_ = 	snop  }
0x4: {  	_ = 	snop  }
0x5: {  	_ = 	snop  }
0x6: {  	_ = 	snop  }
0x7: {  	_ = 	snop  }
__scs_overlays_trampoline_lowered:
0x8: {  	[smem:$0x3FA7] =	sst s0  }
0x9: {  	[smem:$0x3FA8] =	sst s1  }
0xa: {  	[smem:$0x3FA9] =	sst s2  }
0xb: {  	[smem:$0x3FAA] =	sst s3  }
0xc: {  	[smem:$0x3FAB] =	sst s4  }
0xd: {  	[smem:$0x3FAC] =	sst s5  }
0xe: {  	[smem:$0x3FAD] =	sst s6  }
0xf: {  	[smem:$0x3FAE] =	sst s7  }
0x10: {  	[smem:$0x3FAF] =	sst s8  }
0x11: {  	[smem:$0x3FB0] =	sst s9;
	s0 =	simm.s32 @!p0 $0x0  }
0x12: {  	s1 =	sld [smem:$0x3F96];
	s0 =	simm.s32 @p0 $0x1  }
0x13: {  	[smem:$0x3FB1] =	sst s0;
	s0 =	simm.s32 @!p1 $0x0  }
0x14: {  	s2 =	sld [smem:$0x3F95];
	s0 =	simm.s32 @p1 $0x1  }
0x15: {  	[smem:$0x3FB2] =	sst s0;
	s0 =	simm.s32 @!p2 $0x0  }
0x16: {  	s3 =	sld [smem:$0x3FDB];
	s0 =	simm.s32 @p2 $0x1  }
0x17: {  	s4 =	simm.s32 $0x1BF5;
	[smem:$0x3FB4] =	sst s0  }
0x18: {  	s0 =	sld [smem:$0x3F97];
	_ =	swait.ge [sflag:s4], $0x0  }
0x19: {  	s7 =	sld [smem:$0x3F98]  }
0x1a: {  	s8 =	sadd.s32 $0xFFFFE003, lr  }
0x1b: {  	s9 =	sadd.s32 $0xFFFFFEF7, lr;
	s5 =	simm.s32 $0xFFFFFFFF;
	p2 =	slt.u32 s8, $0xFFFFF086  }
0x1c: {  	p1 =	slt.u32 s9, $0xF7A;
	s5 =	simm.s32 @!p2 $0x0  }
0x1d: {  	s5 =	simm.s32 @p1 $0x1;
	p0 =	seq.s32 s7, s2  }
0x1e: {  	s7 =	smul.u32 @!p0 $0xF7A, s2;
	p2 =	seq.s32 @!p0 s5, $0x0  }
0x1f: {  	s9 =	smul.u32 $0xF7A, s1;
	s8 =	simm.s32 @!p0 $0x1BF5;
	p2 =	por !p2, p0  }
0x20: {  	[sflag:s8] =	ssyncset.s32 @!p0 $0xFFFFF086;
	s6 =	sadd.s32 @!p0 s3, s7;
	s7 =	simm.s32 @!p0 $0x108  }
0x21: {  	s3 =	sadd.s32 s3, s9;
	s6 =	sadd.s32 @!p0 $0x88, s6;
	s7 =	simm.s32 @p2 $0x1082  }
0x22: {  	[simem:s7], [sflag:s8] =	dma.local @!p0 [hbm:s6], $0xF7A  }
0x23: {  	s9 =	sor.u32 $0xD0000000, s2;
	s6 =	simm.s32 $0x108;
	_ =	swait.ge @!p0 [sflag:s8], $0x0  }
0x24: {  	s3 =	sadd.s32 $0x88, s3;
	s6 =	simm.s32 @!p1 $0x1082;
	[sflag:s4] =	ssyncset.s32 $0xFFFFF086  }
0x25: {  	[simem:s6], [sflag:s4] =	dma.local [hbm:s3], $0xF7A  }
0x26: {  	[smem:$0x3F98] =	sst s1;
	(tag) =	ssettag s2;
	_ =	strace s9  }
0x27: {  	s1 =	sld [smem:$0x3FA8]  }
0x28: {  	s2 =	sld [smem:$0x3FA9]  }
0x29: {  	s4 =	sld [smem:$0x3FAB]  }
0x2a: {  	p0 =	seq.s32 s5, $0x0;
	s5 =	sld [smem:$0x3FAC]  }
0x2b: {  	s6 =	sld [smem:$0x3FAD]  }
0x2c: {  	s7 =	sld [smem:$0x3FAE]  }
0x2d: {  	s3 =	simm.s32 $0x108;
	s8 =	sld [smem:$0x3FAF]  }
0x2e: {  	s3 =	simm.s32 @!p0 $0x1082;
	s9 =	sld [smem:$0x3FB0]  }
0x2f: {  	lr =	sadd.s32 s0, s3;
	s0 =	sld [smem:$0x3FA7]  }
0x30: {  	s3 =	sld [smem:$0x3FAA]  }
0x31: {  	[smem:$0x3FB3] =	sst s10  }
0x32: {  	s10 =	sld [smem:$0x3FB1];
	_ =	sdelay $0x3  }
0x33: {  	p0 =	seq.s32 s10, $0x1;
	s10 =	sld [smem:$0x3FB3];
	_ =	sdelay $0x3  }
0x34: {  	[smem:$0x3FB3] =	sst s10  }
0x35: {  	s10 =	sld [smem:$0x3FB2];
	_ =	sdelay $0x3  }
0x36: {  	p1 =	seq.s32 s10, $0x1;
	s10 =	sld [smem:$0x3FB3];
	_ =	sdelay $0x3  }
0x37: {  	[smem:$0x3FB3] =	sst s10  }
0x38: {  	s10 =	sld [smem:$0x3FB4]  }
0x39: {  	_ = 	snop;
	(pc) =	sbr.ind lr, $3  }
0x3a: {  	_ = 	snop  }
0x3b: {  	_ = 	snop  }
0x3c: {  	p2 =	seq.s32 s10, $0x1;
	s10 =	sld [smem:$0x3FB3]  }
0x3d: {  	_ =	shalt  }
0x3e: {  	_ =	shalt  }
0x3f: {  	_ =	shalt  }
0x40: {  	_ =	shalt  }
0x41: {  	_ =	shalt  }
0x42: {  	_ =	shalt  }
0x43: {  	_ =	shalt  }
0x44: {  	_ =	shalt  }
0x45: {  	_ =	shalt  }
0x46: {  	_ =	shalt  }
0x47: {  	_ =	shalt  }
0x48: {  	_ =	shalt  }
0x49: {  	_ =	shalt  }
0x4a: {  	_ =	shalt  }
0x4b: {  	_ =	shalt  }
0x4c: {  	_ =	shalt  }
0x4d: {  	_ =	shalt  }
0x4e: {  	_ =	shalt  }
0x4f: {  	_ =	shalt  }
0x50: {  	_ =	shalt  }
0x51: {  	_ =	shalt  }
0x52: {  	_ =	shalt  }
0x53: {  	_ =	shalt  }
0x54: {  	_ =	shalt  }
0x55: {  	_ =	shalt  }
0x56: {  	_ =	shalt  }
0x57: {  	_ =	shalt  }
0x58: {  	_ =	shalt  }
0x59: {  	_ =	shalt  }
0x5a: {  	_ =	shalt  }
0x5b: {  	_ =	shalt  }
0x5c: {  	_ =	shalt  }
0x5d: {  	_ =	shalt  }
0x5e: {  	_ =	shalt  }
0x5f: {  	_ =	shalt  }
0x60: {  	_ =	shalt  }
0x61: {  	_ =	shalt  }
0x62: {  	_ =	shalt  }
0x63: {  	_ =	shalt  }
0x64: {  	_ =	shalt  }
0x65: {  	_ =	shalt  }
0x66: {  	_ =	shalt  }
0x67: {  	_ =	shalt  }
0x68: {  	_ =	shalt  }
0x69: {  	_ =	shalt  }
0x6a: {  	_ =	shalt  }
0x6b: {  	_ =	shalt  }
0x6c: {  	_ =	shalt  }
0x6d: {  	_ =	shalt  }
0x6e: {  	_ =	shalt  }
0x6f: {  	_ =	shalt  }
0x70: {  	_ =	shalt  }
0x71: {  	_ =	shalt  }
0x72: {  	_ =	shalt  }
0x73: {  	_ =	shalt  }
0x74: {  	_ =	shalt  }
0x75: {  	_ =	shalt  }
0x76: {  	_ =	shalt  }
0x77: {  	_ =	shalt  }
0x78: {  	_ =	shalt  }
0x79: {  	_ =	shalt  }
0x7a: {  	_ =	shalt  }
0x7b: {  	_ =	shalt  }
0x7c: {  	_ =	shalt  }
0x7d: {  	_ =	shalt  }
0x7e: {  	_ =	shalt  }
0x7f: {  	_ =	shalt  }
0x80: {  	_ =	shalt  }
0x81: {  	_ =	shalt  }
0x82: {  	_ =	shalt  }
0x83: {  	_ =	shalt  }
0x84: {  	_ =	shalt  }
0x85: {  	_ =	shalt  }
0x86: {  	_ =	shalt  }
0x87: {  	_ =	shalt  }
.Lfunc_end0:
.L_simem_size_0:
called_computation_lowered:
.L_overlay_start_0:
0x88: {  	s2 =	sld [smem:$0x3FD9]  }
0x89: {  	s3 =	sld [smem:$0x3FFE];
	_ =	sdelay $0x1  }
0x8a: {  	s1 =	srdreg.scid  }
0x8b: {  	s0 =	sand.u32 $0x1, s1  }
0x8c: {  	s17 =	sshll.u32 s0, $0xA;
	s2 =	sadd.s32 s3, s2  }
0x8d: {  	s2 =	sadd.s32 s2, s17  }
0x8e: {  	[smem:$0x3FBF] =	sst s2  }
0x8f: {  	_ = 	snop  }
0x90: {  	s2 =	sld [smem:$0x3FC8]  }
0x91: {  	s18 =	sld [smem:$0x3FC7]  }
0x92: {  	s4 =	sld [smem:$0x3FC4]  }
0x93: {  	s5 =	sld [smem:$0x3FC2]  }
0x94: {  	s6 =	sld [smem:$0x3FD0];
	(tm) =	ssettm $0x1  }
0x95: {  	s7 =	sld [smem:$0x3FFB];
	_ =	sdelay $0x3  }
0x96: {  	_ =	strace s7  }
0x97: {  	s7 =	sld [smem:$0x3FFC];
	_ =	sdelay $0x3  }
0x98: {  	_ =	strace s7  }
0x99: {  	s7 =	sld [smem:$0x3FFD];
	_ =	sdelay $0x3  }
0x9a: {  	_ =	strace s7  }
0x9b: {  	_ =	strace $0x8FFFFFFF  }
0x9c: {  	s19 =	sld [smem:$0x3FDB];
	_ =	sdelay $0x1  }
0x9d: {  	s8 =	simm.s32 $_scs_section_size  }
0x9e: {  	s9 =	simm.s32 $_size__tile_overlayer_lowered;
	s10 =	simm.s32 $_tile_overlayer_lowered  }
0x9f: {  	s22 =	simm.s32 $0x1BFF;
	s21 =	sshll.u32 s10, $0x1;
	s7 =	sadd.s32 s8, s19  }
0xa0: {  	s11 =	simm.s32 $0x0;
	s20 =	sshll.u32 s9, $0x1;
	s9 =	sadd.s32 s21, s7  }
0xa1: {  	[timem:s11], [sflag:s22] =	dma.local [hbm:s9], s20  }
0xa2: {  	_ =	swait.ge [sflag:s22], s20  }
0xa3: {  	s8 =	ssub.s32 $0x0, s20;
	[sflag:s22] =	ssyncset.done $0x0  }
0xa4: {  	[sflag:s22] =	ssyncadd.s32 s8;
	_ =	sdelay $0x1  }
0xa5: {  	s23 =	simm.s32 $0x1B8B  }
0xa6: {  	_ =	swait.ge [sflag:s23], $0x1  }
0xa7: {  	[sflag:s23] =	ssyncset.done $0x0  }
0xa8: {  	s25 =	simm.s32 $0x1B8E;
	s24 =	sld [smem:$0x3FFE];
	[sflag:s23] =	ssyncadd.s32 $0xFFFFFFFF  }
0xa9: {  	s26 =	simm.s32 $execute0_lowered;
	[smem:$0x3FD2] =	sst s25  }
0xaa: {  	s9 =	sshll.u32 s26, $0x1;
	_ =	strace $0x80000046;
	[dreg:$0x1] =	wrdreg $0xFFFFFFFF  }
0xab: {  	s28 =	simm.s32 $_size_execute0_lowered;
	s7 =	sadd.s32 s7, s9;
	[dreg:$0x0] =	wrdreg $0x0  }
0xac: {  	s9 =	sshll.u32 s28, $0x1;
	[dreg:$0x2] =	wrdreg s7  }
0xad: {  	[dreg:$0x3] =	wrdreg s9  }
0xae: {  	[dreg:$0x4] =	wrdreg $0xC0  }
0xaf: {  	_ =	task [dreg:s11], $0x5FFFF  }
0xb0: {  	[dreg:$0x1] =	wrdreg $0xFFFFFFFF  }
0xb1: {  	[dreg:$0x0] =	wrdreg $0x60  }
0xb2: {  	[dreg:$0x2] =	wrdreg s24  }
0xb3: {  	[dreg:$0x3] =	wrdreg s2  }
0xb4: {  	[dreg:$0x4] =	wrdreg s18  }
0xb5: {  	[dreg:$0x5] =	wrdreg s4  }
0xb6: {  	[dreg:$0x6] =	wrdreg s5  }
0xb7: {  	[dreg:$0x7] =	wrdreg s6  }
0xb8: {  	[dreg:$0x8] =	wrdreg $0x9  }
0xb9: {  	_ =	task.clear_ibuf [dreg:s11], $0x9FFFF;
	_ =	strace $0x90000046  }
0xba: {  	s29 =	simm.s32 $0x9;
	_ =	strace $0x80000048  }
0xbb: {  	_ =	swait.ge [sflag:s29], $0x1  }
0xbc: {  	[sflag:s29] =	ssyncadd.s32 $0xFFFFFFFF  }
0xbd: {  	_ =	strace $0x90000048  }
0xbe: {  	_ =	sfence  }
0xbf: {  	s30 =	sld [smem:$0x0];
	_ =	sdelay $0x2  }
0xc0: {  	s31 =	sshll.u32 s1, $0xD;
	s1 =	sshrl.u32 s1, $0x2  }
0xc1: {  	s3 =	sand.u32 $0x4000, s31;
	s1 =	sadd.s32 s1, s30  }
0xc2: {  	s0 =	sor.u32 s3, s0;
	s1 =	sshll.u32 s1, $0x11  }
0xc3: {  	s0 =	sor.u32 s1, s0  }
0xc4: {  	s0 =	sadd.s32 $0x8F2B, s0  }
0xc5: {  	[sflag:s0] =	ssyncadd.remote.s32 $0x1  }
0xc6: {  	_ =	sfence.sel $0xFFFF  }
0xc7: {  	[dreg:$0x0] =	wrdreg $0xFFFFFFFF;
	(pc) =	sbr.abs _section_cstart, $3  }
0xc8: {  	[dreg:$0x1] =	wrdreg $0xFFFFFFFF  }
0xc9: {  	_ =	task.clear_ibuf [dreg:s11], $0x2FFFF;
	_ =	strace $0x9FFFFFFF  }
0xca: {  	(tm) =	ssettm $0x7FFFFFFF  }
0xcb: {  	_ =	shalt  }
tec
execute0_lowered:
.L_overlay_start_1:
0x0: {  	(tag) =	ssettag $0x1  }
0x1: {  	s5 =	rddreg [dreg:$0x0]  }
0x2: {  	s0 =	rddreg [dreg:$0x1]  }
0x3: {  	s2 =	rddreg [dreg:$0x2]  }
0x4: {  	s6 =	rddreg [dreg:$0x5]  }
0x5: {  	s1 =	srdreg.scid;
	s3 =	stileid.u32;
	s7 =	simm.s32 $0x0  }
0x6: {  	s15 =	simm.s32 $0x9;
	s16 =	simm.s32 $0x1C100;
	s17 =	simm.s32 $0x1A000  }
0x7: {  	s23 =	simm.s32 $0x50;
	s19 =	simm.s32 $0x11000;
	s21 =	simm.s32 $0x13800  }
0x8: {  	s22 =	simm.s32 $0x1C200;
	s25 =	simm.s32 $0x1C280;
	s28 =	simm.s32 $0x5  }
0x9: {  	s30 =	simm.s32 $0x6;
	s18 =	simm.s32 $0x0;
	s1 =	sand.u32 $0x1, s1  }
0xa: {  	s3 =	sshll.u32 s3, $0x1;
	[smem:$0x7FF] =	sst s7;
	s8 =	sadd.s32 $0x8800, s5  }
0xb: {  	s26 =	sadd.s32 $0x400, s5;
	_ =	strace $0x80000047;
	[dreg:$0x7] =	wrdreg s8  }
0xc: {  	s3 =	sor.u32 s1, s3;
	s1 =	ssub.s32 $0x2, s1;
	[dreg:$0x8] =	wrdreg s26  }
0xd: {  	s4 =	sshll.u32 s3, $0xA;
	s29 =	sshrl.u32 s1, $0x1;
	s31 =	sshll.u32 s3, $0x2  }
0xe: {  	s12 =	sshll.u32 s3, $0x5;
	s4 =	sadd.s32 s4, s5;
	s5 =	sadd.s32 $0x8C00, s5  }
0xf: {  	s3 =	simm.s32 $0x8;
	s0 =	sadd.s32 s0, s31;
	[dreg:$0x9] =	wrdreg s5  }
0x10: {  	s1 =	ssub.s32 s1, s29;
	s4 =	sadd.s32 $0x800, s4;
	[dreg:$0xb] =	wrdreg s0  }
0x11: {  	v0 =	vlaneseq.u32;
	s14 =	smax.u32 s1, $0x1;
	s0 =	simm.s32 $0x7;
	[dreg:$0xa] =	wrdreg s4  }
.LBB2_1:
0x12: {  	s1 =	rddreg [dreg:$0xa]  }
0x13: {  	[tilespmem:s7], [sflag:$0x9] =	stream.linear.gather [hbm4b:s1+s7], $0x2000, $0x38;
	[tilespmem:$0x1C300] =	vst v63  }
0x14: {  	_ =	swait.ge [sflag:s15], $0x2000  }
0x15: {  	[sflag:s15] =	ssyncset.done $0x0  }
0x16: {  	s11 =	rddreg [dreg:$0xb];
	[sflag:s15] =	ssyncadd.s32 $0xFFFFE000  }
0x17: {  	[tilespmem:s16], [sflag:$0x9] =	stream.linear.gather [hbm4b:s11+s7], $0x20, $0x38;
	[tilespmem:$0x1C300] =	vst v63  }
0x18: {  	_ =	swait.ge [sflag:s15], $0x20  }
0x19: {  	[sflag:s15] =	ssyncset.done $0x0  }
0x1a: {  	s13 =	rddreg [dreg:$0x7];
	[sflag:s15] =	ssyncadd.s32 $0xFFFFFFE0  }
0x1b: {  	[tilespmem:s17], [sflag:$0x9] =	stream.linear.gather [hbm4b:s13+s7], $0x2000, $0x38;
	[tilespmem:$0x1C300] =	vst v63  }
0x1c: {  	_ =	swait.ge [sflag:s15], $0x2000  }
0x1d: {  	[sflag:s15] =	ssyncset.done $0x0  }
0x1e: {  	s4 =	simm.s32 $0x16000;
	s20 =	rddreg [dreg:$0x8];
	[sflag:s15] =	ssyncadd.s32 $0xFFFFE000  }
0x1f: {  	[tilespmem:s4], [sflag:$0x9] =	stream.linear.gather [hbm4b:s20+s7], $0x2000, $0x38;
	[tilespmem:$0x1C300] =	vst v63  }
0x20: {  	_ =	swait.ge [sflag:s15], $0x2000  }
0x21: {  	[sflag:s15] =	ssyncset.done $0x0  }
0x22: {  	[sflag:s15] =	ssyncadd.s32 $0xFFFFE000  }
0x23: {  	s26 =	simm.s32 $0x18000;
	s24 =	rddreg [dreg:$0x0]  }
0x24: {  	[tilespmem:s26], [sflag:$0x9] =	stream.linear.gather [hbm4b:s24+s7], $0x2000, $0x38;
	[tilespmem:$0x1C300] =	vst v63  }
0x25: {  	_ =	swait.ge [sflag:s15], $0x2000  }
0x26: {  	[sflag:s15] =	ssyncset.done $0x0  }
0x27: {  	[sflag:s15] =	ssyncadd.s32 $0xFFFFE000  }
0x28: {  	s31 =	simm.s32 $0x1C000;
	s29 =	rddreg [dreg:$0x3]  }
0x29: {  	[tilespmem:s31], [sflag:$0x9] =	stream.linear.gather [hbm4b:s29+s7], $0x80, $0x38;
	[tilespmem:$0x1C300] =	vst v63  }
0x2a: {  	_ =	swait.ge [sflag:s15], $0x80  }
0x2b: {  	[sflag:s15] =	ssyncset.done $0x0  }
0x2c: {  	[sflag:s15] =	ssyncadd.s32 $0xFFFFFF80  }
0x2d: {  	s5 =	simm.s32 $0x1C080;
	s4 =	rddreg [dreg:$0x4]  }
0x2e: {  	[tilespmem:s5], [sflag:$0x9] =	stream.linear.gather [hbm4b:s4+s7], $0x80, $0x38;
	[tilespmem:$0x1C300] =	vst v63  }
0x2f: {  	_ =	swait.ge [sflag:s15], $0x80  }
0x30: {  	[sflag:s15] =	ssyncset.done $0x0  }
0x31: {  	s9 =	simm.s32 $0x1C180;
	s8 =	rddreg [dreg:$0x9];
	[sflag:s15] =	ssyncadd.s32 $0xFFFFFF80  }
0x32: {  	[tilespmem:s9], [sflag:$0x9] =	stream.linear.gather [hbm4b:s8+s7], $0x80, $0x38;
	[tilespmem:$0x1C300] =	vst v63  }
0x33: {  	_ =	swait.ge [sflag:s15], $0x80  }
0x34: {  	[sflag:s15] =	ssyncset.done $0x0  }
0x35: {  	s1 =	simm.s32 $0x2000;
	[sflag:s15] =	ssyncadd.s32 $0xFFFFFF80  }
0x36: {  	[tilespmem:s1], [sflag:$0x1] =	stream.indirect.gather [hbm4b:s2+s23], $0x80, s7, s23, $0xb8;
	[tilespmem:$0x1C300] =	vst v63  }
0x37: {  	s10 =	simm.s32 $0x80;
	s5 =	simm.s32 $0x4800  }
0x38: {  	[tilespmem:s5], [sflag:$0x1] =	stream.indirect.gather [hbm4b:s2+s23], $0x80, s10, s23, $0xb8;
	[tilespmem:$0x1C300] =	vst v63  }
0x39: {  	s11 =	simm.s32 $0x100;
	s8 =	simm.s32 $0x7000  }
0x3a: {  	[tilespmem:s8], [sflag:$0x2] =	stream.indirect.gather [hbm4b:s2+s23], $0x80, s11, s23, $0xb8;
	[tilespmem:$0x1C300] =	vst v63  }
0x3b: {  	s13 =	simm.s32 $0x180;
	s9 =	simm.s32 $0x9800  }
0x3c: {  	[tilespmem:s9], [sflag:$0x2] =	stream.indirect.gather [hbm4b:s2+s23], $0x80, s13, s23, $0xb8;
	[tilespmem:$0x1C300] =	vst v63  }
0x3d: {  	s20 =	simm.s32 $0x200;
	s10 =	simm.s32 $0xC000  }
0x3e: {  	[tilespmem:s10], [sflag:$0x3] =	stream.indirect.gather [hbm4b:s2+s23], $0x80, s20, s23, $0xb8;
	[tilespmem:$0x1C300] =	vst v63  }
0x3f: {  	s24 =	simm.s32 $0x280;
	s11 =	simm.s32 $0xE800  }
0x40: {  	[tilespmem:s11], [sflag:$0x3] =	stream.indirect.gather [hbm4b:s2+s23], $0x80, s24, s23, $0xb8;
	[tilespmem:$0x1C300] =	vst v63  }
0x41: {  	s26 =	simm.s32 $0x300  }
0x42: {  	[tilespmem:s19], [sflag:$0x4] =	stream.indirect.gather [hbm4b:s2+s23], $0x80, s26, s23, $0xb8;
	[tilespmem:$0x1C300] =	vst v63  }
0x43: {  	s29 =	simm.s32 $0x380  }
0x44: {  	[tilespmem:s21], [sflag:$0x4] =	stream.indirect.gather [hbm4b:s2+s23], $0x80, s29, s23, $0xb8;
	[tilespmem:$0x1C300] =	vst v63  }
0x45: {  	s31 =	simm.s32 $0x400  }
0x46: {  	[tilespmem:s1], [sflag:$0x1] =	stream.indirect.gather [hbm4b:s2+s23], $0x80, s31, s23, $0xb8;
	[tilespmem:$0x1C300] =	vst v63  }
0x47: {  	s4 =	simm.s32 $0x480  }
0x48: {  	[tilespmem:s5], [sflag:$0x1] =	stream.indirect.gather [hbm4b:s2+s23], $0x80, s4, s23, $0xb8;
	[tilespmem:$0x1C300] =	vst v63  }
0x49: {  	s13 =	simm.s32 $0x500  }
0x4a: {  	[tilespmem:s8], [sflag:$0x2] =	stream.indirect.gather [hbm4b:s2+s23], $0x80, s13, s23, $0xb8;
	[tilespmem:$0x1C300] =	vst v63  }
0x4b: {  	s20 =	simm.s32 $0x580  }
0x4c: {  	[tilespmem:s9], [sflag:$0x2] =	stream.indirect.gather [hbm4b:s2+s23], $0x80, s20, s23, $0xb8;
	[tilespmem:$0x1C300] =	vst v63  }
0x4d: {  	s24 =	simm.s32 $0x600  }
0x4e: {  	[tilespmem:s10], [sflag:$0x3] =	stream.indirect.gather [hbm4b:s2+s23], $0x80, s24, s23, $0xb8;
	[tilespmem:$0x1C300] =	vst v63  }
0x4f: {  	s26 =	simm.s32 $0x680  }
0x50: {  	[tilespmem:s11], [sflag:$0x3] =	stream.indirect.gather [hbm4b:s2+s23], $0x80, s26, s23, $0xb8;
	[tilespmem:$0x1C300] =	vst v63  }
0x51: {  	s29 =	simm.s32 $0x700  }
0x52: {  	[tilespmem:s19], [sflag:$0x4] =	stream.indirect.gather [hbm4b:s2+s23], $0x80, s29, s23, $0xb8;
	[tilespmem:$0x1C300] =	vst v63  }
0x53: {  	s31 =	simm.s32 $0x780;
	s1 =	simm.s32 $0x0;
	s20 =	simm.s32 $0x0  }
0x54: {  	[tilespmem:s21], [sflag:$0x4] =	stream.indirect.gather [hbm4b:s2+s23], $0x80, s31, s23, $0xb8;
	[tilespmem:$0x1C300] =	vst v63  }
.LBB2_2:
0x55: {  	s24 =	sand.u32 $0x3, s1  }
0x56: {  	s9 =	sadd.s32 $0x1, s24  }
0x57: {  	_ =	swait.ge [sflag:s9], $0x2800  }
0x58: {  	s8 =	sand.u32 $0x3, s20;
	[sflag:s9] =	ssyncset.done $0x0  }
0x59: {  	s8 =	smul.u32 $0x14000, s8;
	[sflag:s9] =	ssyncadd.s32 $0xFFFFD800  }
0x5a: {  	_ =	swait.ge [sflag:s9], $0x2800  }
0x5b: {  	s8 =	sshrl.u32 s8, $0x2;
	[sflag:s9] =	ssyncset.done $0x0  }
0x5c: {  	s8 =	sadd.s32 $0x2100, s8;
	[sflag:s9] =	ssyncadd.s32 $0xFFFFD800  }
0x5d: {  	v5 =	vld [tilespmem:s8+$0x80]  }
0x5e: {  	v6 =	vld [tilespmem:s8+$0x90]  }
0x5f: {  	v7 =	vld [tilespmem:s8+$0xA0]  }
0x60: {  	v12 =	vld [tilespmem:s8+$0xB0]  }
0x61: {  	v1 =	vld [tilespmem:s8+$0xC0]  }
0x62: {  	v2 =	vld [tilespmem:s8+$0xD0]  }
0x63: {  	v8 =	vld [tilespmem:s8+$0x0]  }
0x64: {  	v9 =	vld [tilespmem:s8+$0x10]  }
0x65: {  	v10 =	vld [tilespmem:s8+$0x20]  }
0x66: {  	v11 =	vld [tilespmem:s8+$0x30]  }
0x67: {  	v4 =	vld [tilespmem:s8+$0x40]  }
0x68: {  	v3 =	vld [tilespmem:s8+$0x50]  }
0x69: {  	v13 =	vld [tilespmem:s8+$0xFFFFFF80]  }
0x6a: {  	v14 =	vld [tilespmem:s8+$0xFFFFFF90]  }
0x6b: {  	v15 =	vld [tilespmem:s8+$0xFFFFFF00]  }
0x6c: {  	v16 =	vld [tilespmem:s8+$0xFFFFFF10]  }
0x6d: {  	v17 =	vld [tilespmem:s8+$0xFFFFFF20]  }
0x6e: {  	v18 =	vld [tilespmem:s8+$0xFFFFFF30]  }
0x6f: {  	v19 =	vld [tilespmem:s8+$0xFFFFFFA0]  }
0x70: {  	v20 =	vld [tilespmem:s8+$0xFFFFFFB0]  }
0x71: {  	v21 =	vimm.f32 $0.0e+00;
	v22 =	vld [tilespmem:s8+$0xFFFFFFC0]  }
0x72: {  	v23 =	vld [tilespmem:s8+$0xFFFFFFD0];
	v15 =	vadd.f32 v15, v21;
	v16 =	vadd.f32 v16, v21  }
0x73: {  	v25 =	vld [tilespmem:s8+$0xFFFFFF50];
	v17 =	vadd.f32 v17, v21;
	v18 =	vadd.f32 v18, v21  }
0x74: {  	v24 =	vld [tilespmem:s8+$0xFFFFFF40];
	v13 =	vadd.f32 v13, v15;
	v14 =	vadd.f32 v14, v16  }
0x75: {  	v15 =	vld [tilespmem:s8+$0xFFFFFF60];
	v16 =	vadd.f32 v19, v17;
	v17 =	vadd.f32 v20, v18  }
0x76: {  	v18 =	vld [tilespmem:s8+$0xFFFFFF70];
	v8 =	vadd.f32 v8, v13;
	v13 =	vadd.f32 v9, v14  }
0x77: {  	v9 =	vld [tilespmem:s8+$0xFFFFFFE0];
	v14 =	vadd.f32 v10, v16;
	v16 =	vadd.f32 v11, v17  }
0x78: {  	v11 =	vld [tilespmem:s8+$0xFFFFFFF0];
	v17 =	vadd.f32 v25, v21;
	v8 =	vadd.f32 v5, v8  }
0x79: {  	s10 =	smul.u32 $0x14000, s24;
	v10 =	vld [tilespmem:s8+$0x60];
	v6 =	vadd.f32 v6, v13;
	v7 =	vadd.f32 v7, v14  }
0x7a: {  	v5 =	vadd.f32 v12, v16;
	v14 =	vadd.f32 v24, v21;
	v13 =	vld [tilespmem:s8+$0x70]  }
0x7b: {  	s10 =	sshrl.u32 s10, $0x2;
	v12 =	vld [tilespmem:s8+$0xE0];
	v16 =	vadd.f32 v15, v21;
	v15 =	vadd.f32 v18, v21  }
0x7c: {  	s11 =	simm.s32 $0x0;
	s26 =	sadd.s32 $0x2000, s10;
	s29 =	sadd.s32 $0x200, s8;
	v17 =	vadd.f32 v23, v17;
	v18 =	vadd.f32 v22, v14;
	v14 =	vld [tilespmem:s8+$0xF0]  }
.LBB2_3:
0x7d: {  	v19 =	vld [tilespmem:s29+$0x80];
	v9 =	vadd.f32 v9, v16;
	v11 =	vadd.f32 v11, v15  }
0x7e: {  	v15 =	vld [tilespmem:s29+$0x90];
	v4 =	vadd.f32 v4, v18;
	v3 =	vadd.f32 v3, v17  }
0x7f: {  	v16 =	vld [tilespmem:s29+$0xA0];
	v9 =	vadd.f32 v10, v9;
	v10 =	vadd.f32 v13, v11  }
0x80: {  	v13 =	vld [tilespmem:s29+$0xB0];
	v17 =	vadd.f32 v1, v4;
	v18 =	vadd.f32 v2, v3  }
0x81: {  	v1 =	vld [tilespmem:s29+$0xC0];
	v12 =	vadd.f32 v12, v9;
	v14 =	vadd.f32 v14, v10  }
0x82: {  	v2 =	vld [tilespmem:s29+$0xD0]  }
0x83: {  	v9 =	vld [tilespmem:s29+$0x0]  }
0x84: {  	v10 =	vld [tilespmem:s29+$0x10]  }
0x85: {  	v11 =	vld [tilespmem:s29+$0x20]  }
0x86: {  	v20 =	vld [tilespmem:s29+$0x30]  }
0x87: {  	v4 =	vld [tilespmem:s29+$0x40]  }
0x88: {  	v3 =	vld [tilespmem:s29+$0x50]  }
0x89: {  	v21 =	vld [tilespmem:s29+$0xFFFFFF80]  }
0x8a: {  	v22 =	vld [tilespmem:s29+$0xFFFFFF90]  }
0x8b: {  	v23 =	vld [tilespmem:s29+$0xFFFFFF00]  }
0x8c: {  	v24 =	vld [tilespmem:s29+$0xFFFFFF10]  }
0x8d: {  	v25 =	vld [tilespmem:s29+$0xFFFFFF20]  }
0x8e: {  	v26 =	vld [tilespmem:s29+$0xFFFFFF30]  }
0x8f: {  	v27 =	vld [tilespmem:s29+$0xFFFFFFA0]  }
0x90: {  	v28 =	vld [tilespmem:s29+$0xFFFFFFB0]  }
0x91: {  	v29 =	vld [tilespmem:s29+$0xFFFFFFC0]  }
0x92: {  	v8 =	vadd.f32 v23, v8;
	v6 =	vadd.f32 v24, v6;
	v23 =	vld [tilespmem:s29+$0xFFFFFFD0]  }
0x93: {  	v7 =	vadd.f32 v25, v7;
	v5 =	vadd.f32 v26, v5;
	v24 =	vld [tilespmem:s29+$0xFFFFFF40]  }
0x94: {  	v8 =	vadd.f32 v21, v8;
	v6 =	vadd.f32 v22, v6;
	v25 =	vld [tilespmem:s29+$0xFFFFFF50]  }
0x95: {  	v7 =	vadd.f32 v27, v7;
	v21 =	vld [tilespmem:s29+$0xFFFFFF60];
	v5 =	vadd.f32 v28, v5  }
0x96: {  	s11 =	sadd.s32 $0x4, s11;
	v8 =	vadd.f32 v9, v8;
	v6 =	vadd.f32 v10, v6;
	v22 =	vld [tilespmem:s29+$0xFFFFFF70]  }
0x97: {  	p0 =	slt.u32 s11, $0x9C;
	v7 =	vadd.f32 v11, v7;
	v9 =	vld [tilespmem:s29+$0xFFFFFFE0];
	v5 =	vadd.f32 v20, v5  }
.Ltmp0:
0x98: {  	v8 =	vadd.f32 v19, v8;
	v6 =	vadd.f32 v15, v6;
	v11 =	vld [tilespmem:s29+$0xFFFFFFF0];
	(pc) =	sbr.rel @p0 .LBB2_3-.Ltmp0, $4  }
0x99: {  	v7 =	vadd.f32 v16, v7;
	v10 =	vld [tilespmem:s29+$0x60];
	v5 =	vadd.f32 v13, v5  }
0x9a: {  	v17 =	vadd.f32 v24, v17;
	v19 =	vadd.f32 v25, v18;
	v13 =	vld [tilespmem:s29+$0x70]  }
0x9b: {  	v16 =	vadd.f32 v21, v12;
	v15 =	vadd.f32 v22, v14;
	v12 =	vld [tilespmem:s29+$0xE0]  }
0x9c: {  	v18 =	vadd.f32 v29, v17;
	v17 =	vadd.f32 v23, v19;
	v14 =	vld [tilespmem:s29+$0xF0];
	s29 =	sadd.s32 $0x200, s29  }
0x9d: {  	_ = 	snop  }
0x9e: {  	v9 =	vadd.f32 v9, v16;
	[tilespmem:$0x1C200] =	vst v8;
	v4 =	vadd.f32 v4, v18  }
0x9f: {  	v8 =	vadd.f32 v11, v15;
	[tilespmem:$0x1C210] =	vst v6;
	v3 =	vadd.f32 v3, v17  }
0xa0: {  	[tilespmem:$0x1C220] =	vst v7;
	v6 =	vadd.f32 v10, v9;
	v1 =	vadd.f32 v1, v4  }
0xa1: {  	[tilespmem:$0x1C230] =	vst v5;
	v4 =	vadd.f32 v13, v8;
	v2 =	vadd.f32 v2, v3  }
0xa2: {  	v3 =	vadd.f32 v12, v6;
	[tilespmem:$0x1C240] =	vst v1  }
0xa3: {  	v1 =	vadd.f32 v14, v4;
	[tilespmem:$0x1C250] =	vst v2  }
0xa4: {  	[tilespmem:$0x1C260] =	vst v3  }
0xa5: {  	s29 =	simm.s32 $0x16080;
	[tilespmem:$0x1C270] =	vst v1  }
0xa6: {  	v1 =	vld [tilespmem:s29+$0x40]  }
0xa7: {  	v3 =	vld [tilespmem:s29+$0x0]  }
0xa8: {  	v4 =	vld [tilespmem:s29+$0x10]  }
0xa9: {  	v6 =	vld [tilespmem:s29+$0x20]  }
0xaa: {  	s31 =	simm.s32 $0x2;
	s4 =	simm.s32 $0x3;
	v7 =	vld [tilespmem:s29+$0x30]  }
0xab: {  	s11 =	simm.s32 $0x0;
	s13 =	simm.s32 $0x1;
	v5 =	vmov s31;
	v11 =	vmov s4;
	v8 =	vld [tilespmem:s29+$0xFFFFFFC0]  }
0xac: {  	v5 =	vand.u32 $0xFFFFFFFE, v5;
	v12 =	vmov s13;
	v2 =	vmov s11;
	v9 =	vld [tilespmem:s29+$0xFFFFFF80]  }
0xad: {  	v20 =	vbroadcast v5, $0x0;
	v12 =	vand.u32 $0xFFFFFFFD, v12;
	v2 =	vand.u32 $0xFFFFFFFC, v2;
	v10 =	vld [tilespmem:s29+$0xFFFFFF90]  }
0xae: {  	s31 =	simm.s32 $0xC0;
	v25 =	vbroadcast v12, $0x0;
	v14 =	vbroadcast v2, $0x0;
	v2 =	vimm.f32 $0.0e+00;
	v13 =	vld [tilespmem:s29+$0xFFFFFFA0]  }
0xaf: {  	s5 =	sor.u32 $0x50, s31;
	v15 =	vld [tilespmem:s29+$0xFFFFFFB0];
	v12 =	vunpack.i.u.bf16.f32 v1;
	v19 =	vunpack.i.l.bf16.f32 v1;
	v21 =	vunpack.i.u.bf16.f32 v3  }
0xb0: {  	s11 =	sor.u32 $0x60, s31;
	v24 =	vld [tilespmem:s5+$0x16000];
	v22 =	vunpack.i.l.bf16.f32 v3;
	v16 =	vunpack.i.u.bf16.f32 v4;
	v18 =	vunpack.i.l.bf16.f32 v4  }
0xb1: {  	v27 =	vld [tilespmem:s11+$0x16000];
	v5 =	vunpack.i.u.bf16.f32 v6;
	v17 =	vunpack.i.l.bf16.f32 v6;
	v23 =	vunpack.i.u.bf16.f32 v8  }
0xb2: {  	s13 =	sor.u32 $0x70, s31;
	v1 =	vld.idx.msk [tilespmem:v11+s22+$0x0], $0xffff;
	v3 =	vunpack.i.u.bf16.f32 v7;
	v4 =	vunpack.i.l.bf16.f32 v7;
	v31 =	vunpack.i.u.bf16.f32 v9  }
0xb3: {  	v35 =	vunpack.i.l.bf16.f32 v9;
	v29 =	vunpack.i.l.bf16.f32 v8;
	v6 =	vld [tilespmem:s13+$0x16000];
	v36 =	vunpack.i.u.bf16.f32 v10  }
0xb4: {  	s4 =	simm.s32 $0x40;
	v39 =	vunpack.i.l.bf16.f32 v10;
	v32 =	vunpack.i.u.bf16.f32 v13;
	v38 =	vunpack.i.l.bf16.f32 v13  }
0xb5: {  	s5 =	sor.u32 $0x50, s4;
	v33 =	vunpack.i.u.bf16.f32 v15;
	v37 =	vunpack.i.l.bf16.f32 v15;
	v7 =	vunpack.i.u.bf16.f32 v24  }
0xb6: {  	v41 =	vld [tilespmem:s5+$0x16000];
	v8 =	vunpack.i.l.bf16.f32 v24;
	v9 =	vunpack.i.u.bf16.f32 v27;
	v10 =	vunpack.i.l.bf16.f32 v27  }
0xb7: {  	v30 =	vld.idx.msk [tilespmem:v14+s22+$0x0], $0xffff;
	v11 =	vimm.f32 $0.0e+00;
	v24 =	vmul.f32 v19, v1;
	v26 =	vmul.f32 v12, v1  }
0xb8: {  	v20 =	vld.idx.msk [tilespmem:v20+s22+$0x0], $0xffff;
	s13 =	sor.u32 $0x60, s4;
	v27 =	vmul.f32 v8, v1;
	v28 =	vmul.f32 v7, v1;
	v15 =	vunpack.i.u.bf16.f32 v6  }
0xb9: {  	v40 =	vld [tilespmem:s13+$0x16000];
	v14 =	vmul.f32 v10, v1;
	v13 =	vmul.f32 v9, v1;
	v19 =	vunpack.i.l.bf16.f32 v6  }
0xba: {  	v25 =	vld.idx.msk [tilespmem:v25+s22+$0x0], $0xffff;
	s4 =	sor.u32 $0x70, s4;
	v10 =	vimm.f32 $0.0e+00;
	v12 =	vimm.f32 $0.0e+00;
	v6 =	vimm.f32 $0.0e+00  }
0xbb: {  	s11 =	simm.s32 $0x4;
	v34 =	vld [tilespmem:s4+$0x16000];
	v9 =	vimm.f32 $0.0e+00;
	v7 =	vimm.f32 $0.0e+00;
	v8 =	vimm.f32 $0.0e+00  }
.LBB2_5:
0xbc: {  	p0 =	slt.u32 s11, $0x7C;
	v35 =	vmul.f32 v35, v30;
	v31 =	vmul.f32 v31, v30;
	v42 =	vunpack.i.u.bf16.f32 v41  }
0xbd: {  	v39 =	vmul.f32 v39, v30;
	v36 =	vmul.f32 v36, v30;
	v41 =	vunpack.i.l.bf16.f32 v41  }
0xbe: {  	v38 =	vmul.f32 v38, v30;
	v32 =	vmul.f32 v32, v30;
	v43 =	vunpack.i.u.bf16.f32 v40  }
0xbf: {  	v37 =	vmul.f32 v37, v30;
	v30 =	vmul.f32 v33, v30;
	v33 =	vunpack.i.l.bf16.f32 v40  }
0xc0: {  	v40 =	vunpack.i.u.bf16.f32 v34;
	v22 =	vmul.f32 v22, v20;
	v21 =	vmul.f32 v21, v20  }
0xc1: {  	v34 =	vunpack.i.l.bf16.f32 v34;
	v29 =	vmul.f32 v29, v25;
	v23 =	vmul.f32 v23, v25  }
0xc2: {  	v2 =	vadd.f32 v35, v2;
	v10 =	vadd.f32 v31, v10;
	v31 =	vmul.f32 v41, v25  }
0xc3: {  	v11 =	vadd.f32 v39, v11;
	v12 =	vadd.f32 v36, v12;
	v35 =	vmul.f32 v42, v25  }
0xc4: {  	v18 =	vmul.f32 v18, v20;
	v2 =	vadd.f32 v29, v2;
	v10 =	vadd.f32 v23, v10  }
0xc5: {  	v16 =	vmul.f32 v16, v20;
	v11 =	vadd.f32 v31, v11;
	v12 =	vadd.f32 v35, v12  }
0xc6: {  	v17 =	vmul.f32 v17, v20;
	v2 =	vadd.f32 v22, v2;
	v10 =	vadd.f32 v21, v10  }
0xc7: {  	v5 =	vmul.f32 v5, v20;
	v11 =	vadd.f32 v18, v11;
	v12 =	vadd.f32 v16, v12  }
0xc8: {  	v16 =	vmul.f32 v33, v25;
	v2 =	vadd.f32 v24, v2;
	v10 =	vadd.f32 v26, v10  }
0xc9: {  	v18 =	vmul.f32 v43, v25;
	v11 =	vadd.f32 v27, v11;
	v12 =	vadd.f32 v28, v12  }
0xca: {  	s29 =	sadd.s32 $0x100, s29;
	v6 =	vadd.f32 v38, v6;
	v9 =	vadd.f32 v32, v9;
	v21 =	vmul.f32 v34, v25  }
0xcb: {  	v7 =	vadd.f32 v37, v7;
	v8 =	vadd.f32 v30, v8;
	v23 =	vmul.f32 v40, v25;
	v22 =	vld [tilespmem:s29+$0x40]  }
0xcc: {  	v4 =	vmul.f32 v4, v20;
	v6 =	vadd.f32 v16, v6;
	v9 =	vadd.f32 v18, v9;
	v24 =	vld [tilespmem:s29+$0x0]  }
0xcd: {  	v3 =	vmul.f32 v3, v20;
	v8 =	vadd.f32 v23, v8;
	v7 =	vadd.f32 v21, v7;
	v18 =	vld [tilespmem:s29+$0x10]  }
0xce: {  	v16 =	vmul.f32 v19, v1;
	v6 =	vadd.f32 v17, v6;
	v5 =	vadd.f32 v5, v9;
	v20 =	vld [tilespmem:s29+$0x20]  }
0xcf: {  	v3 =	vadd.f32 v3, v8;
	v1 =	vmul.f32 v15, v1;
	v4 =	vadd.f32 v4, v7;
	v19 =	vld [tilespmem:s29+$0x30]  }
0xd0: {  	v6 =	vadd.f32 v14, v6;
	v9 =	vadd.f32 v13, v5;
	v15 =	vld [tilespmem:s29+$0xFFFFFFC0]  }
0xd1: {  	s4 =	sadd.s32 $0x2, s11;
	s13 =	sadd.s32 $0x3, s11;
	v8 =	vadd.f32 v1, v3;
	v7 =	vadd.f32 v16, v4;
	v13 =	vld [tilespmem:s29+$0xFFFFFF80]  }
0xd2: {  	s5 =	sadd.s32 $0x1, s11;
	v1 =	vmov s11;
	v3 =	vmov s4;
	v4 =	vmov s13;
	v14 =	vld [tilespmem:s29+$0xFFFFFF90]  }
0xd3: {  	s31 =	sadd.s32 $0x100, s31;
	v1 =	vand.u32 $0xFFFFFFFC, v1;
	v3 =	vand.u32 $0xFFFFFFFE, v3;
	v5 =	vmov s5;
	v25 =	vld [tilespmem:s29+$0xFFFFFFA0]  }
0xd4: {  	s4 =	sor.u32 $0x50, s31;
	v26 =	vbroadcast v1, $0x0;
	v28 =	vbroadcast v3, $0x0;
	v1 =	vand.u32 $0xFFFFFFFD, v5;
	v27 =	vld [tilespmem:s29+$0xFFFFFFB0]  }
0xd5: {  	v42 =	vbroadcast v1, $0x0;
	v43 =	vunpack.i.u.bf16.f32 v22;
	v44 =	vunpack.i.l.bf16.f32 v22;
	v34 =	vld [tilespmem:s4+$0x16000];
	s4 =	sor.u32 $0x60, s31  }
0xd6: {  	v21 =	vunpack.i.u.bf16.f32 v24;
	v22 =	vunpack.i.l.bf16.f32 v24;
	v16 =	vunpack.i.u.bf16.f32 v18;
	v45 =	vld [tilespmem:s4+$0x16000]  }
0xd7: {  	v18 =	vunpack.i.l.bf16.f32 v18;
	v5 =	vunpack.i.u.bf16.f32 v20;
	v17 =	vunpack.i.l.bf16.f32 v20;
	v1 =	vld.idx.msk [tilespmem:v4+s22+$0x0], $0xffff  }
0xd8: {  	v3 =	vunpack.i.u.bf16.f32 v19;
	v23 =	vunpack.i.u.bf16.f32 v15;
	s4 =	sor.u32 $0x70, s31;
	v4 =	vunpack.i.l.bf16.f32 v19  }
0xd9: {  	s5 =	sadd.s32 $0xFFFFFF80, s31;
	v29 =	vunpack.i.l.bf16.f32 v15;
	v31 =	vunpack.i.u.bf16.f32 v13;
	v35 =	vunpack.i.l.bf16.f32 v13;
	v19 =	vld [tilespmem:s4+$0x16000]  }
0xda: {  	v36 =	vunpack.i.u.bf16.f32 v14;
	v39 =	vunpack.i.l.bf16.f32 v14;
	v32 =	vunpack.i.u.bf16.f32 v25;
	s4 =	sor.u32 $0x50, s5;
	v30 =	vld.idx.msk [tilespmem:v26+s22+$0x0], $0xffff  }
.Ltmp1:
0xdb: {  	v38 =	vunpack.i.l.bf16.f32 v25;
	v33 =	vunpack.i.u.bf16.f32 v27;
	v37 =	vunpack.i.l.bf16.f32 v27;
	v41 =	vld [tilespmem:s4+$0x16000];
	s4 =	sor.u32 $0x60, s5;
	(pc) =	sbr.rel @p0 .LBB2_5-.Ltmp1, $4  }
0xdc: {  	v13 =	vunpack.i.u.bf16.f32 v34;
	v14 =	vunpack.i.l.bf16.f32 v34;
	v46 =	vunpack.i.u.bf16.f32 v45;
	v40 =	vld [tilespmem:s4+$0x16000];
	s4 =	sor.u32 $0x70, s5  }
0xdd: {  	v24 =	vmul.f32 v44, v1;
	v26 =	vmul.f32 v43, v1;
	v43 =	vunpack.i.l.bf16.f32 v45;
	v34 =	vld [tilespmem:s4+$0x16000]  }
0xde: {  	v27 =	vmul.f32 v14, v1;
	v20 =	vld.idx.msk [tilespmem:v28+s22+$0x0], $0xffff;
	v28 =	vmul.f32 v13, v1;
	v15 =	vunpack.i.u.bf16.f32 v19  }
0xdf: {  	s11 =	sadd.s32 $0x4, s11;
	v14 =	vmul.f32 v43, v1;
	v13 =	vmul.f32 v46, v1;
	v19 =	vunpack.i.l.bf16.f32 v19;
	v25 =	vld.idx.msk [tilespmem:v42+s22+$0x0], $0xffff  }
0xe0: {  	v35 =	vmul.f32 v35, v30;
	v31 =	vmul.f32 v31, v30  }
0xe1: {  	v39 =	vmul.f32 v39, v30;
	v36 =	vmul.f32 v36, v30  }
0xe2: {  	v42 =	vunpack.i.u.bf16.f32 v41;
	v38 =	vmul.f32 v38, v30;
	v32 =	vmul.f32 v32, v30  }
0xe3: {  	v60 =	vunpack.i.l.bf16.f32 v41;
	v37 =	vmul.f32 v37, v30;
	v30 =	vmul.f32 v33, v30  }
0xe4: {  	v43 =	vunpack.i.u.bf16.f32 v40;
	v61 =	vunpack.i.l.bf16.f32 v40;
	v2 =	vadd.f32 v35, v2  }
0xe5: {  	v62 =	vunpack.i.u.bf16.f32 v34;
	v10 =	vadd.f32 v31, v10;
	v11 =	vadd.f32 v39, v11  }
0xe6: {  	v12 =	vadd.f32 v36, v12;
	v6 =	vadd.f32 v38, v6;
	v22 =	vmul.f32 v22, v20  }
0xe7: {  	v9 =	vadd.f32 v32, v9;
	v21 =	vmul.f32 v21, v20;
	v18 =	vmul.f32 v18, v20  }
0xe8: {  	v7 =	vadd.f32 v37, v7;
	v29 =	vmul.f32 v29, v25;
	v23 =	vmul.f32 v23, v25  }
0xe9: {  	v8 =	vadd.f32 v30, v8;
	v31 =	vmul.f32 v60, v25;
	v63 =	vmul.f32 v42, v25  }
0xea: {  	v16 =	vmul.f32 v16, v20;
	v2 =	vadd.f32 v29, v2;
	v10 =	vadd.f32 v23, v10  }
0xeb: {  	v17 =	vmul.f32 v17, v20;
	v11 =	vadd.f32 v31, v11;
	v12 =	vadd.f32 v63, v12  }
0xec: {  	v5 =	vmul.f32 v5, v20;
	v2 =	vadd.f32 v22, v2;
	v10 =	vadd.f32 v21, v10  }
0xed: {  	v23 =	vunpack.i.l.bf16.f32 v34;
	v11 =	vadd.f32 v18, v11;
	v12 =	vadd.f32 v16, v12  }
0xee: {  	v16 =	vmul.f32 v61, v25;
	v18 =	vmul.f32 v43, v25;
	v2 =	vadd.f32 v24, v2  }
0xef: {  	v21 =	vmul.f32 v23, v25;
	v22 =	vld [tilespmem:$0x1C000];
	v10 =	vadd.f32 v26, v10;
	v11 =	vadd.f32 v27, v11  }
0xf0: {  	v23 =	vmul.f32 v62, v25;
	v12 =	vadd.f32 v28, v12;
	v24 =	vld [tilespmem:$0x1C010];
	v6 =	vadd.f32 v16, v6  }
0xf1: {  	v4 =	vmul.f32 v4, v20;
	v9 =	vadd.f32 v18, v9;
	v16 =	vld [tilespmem:$0x1C020];
	v7 =	vadd.f32 v21, v7  }
0xf2: {  	v3 =	vmul.f32 v3, v20;
	v8 =	vadd.f32 v23, v8;
	v18 =	vld [tilespmem:$0x1C030];
	v6 =	vadd.f32 v17, v6  }
0xf3: {  	v5 =	vadd.f32 v5, v9;
	v9 =	vld [tilespmem:$0x1C040];
	v4 =	vadd.f32 v4, v7  }
0xf4: {  	v7 =	vld [tilespmem:$0x1C050];
	v3 =	vadd.f32 v3, v8;
	v2 =	vadd.f32 v22, v2  }
0xf5: {  	v17 =	vmul.f32 v19, v1;
	v6 =	vadd.f32 v14, v6;
	v14 =	vld [tilespmem:$0x1C070];
	v8 =	vadd.f32 v24, v10  }
0xf6: {  	v1 =	vmul.f32 v15, v1;
	v10 =	vld [tilespmem:$0x1C060];
	v2 =	vmax.f32 v2, $0.0e+00;
	v11 =	vadd.f32 v16, v11  }
0xf7: {  	v5 =	vadd.f32 v13, v5;
	[tilespmem:$0x1C280] =	vst v2;
	v2 =	vmax.f32 v8, $0.0e+00;
	v8 =	vadd.f32 v18, v12  }
0xf8: {  	v1 =	vadd.f32 v1, v3;
	v6 =	vadd.f32 v9, v6;
	[tilespmem:$0x1C290] =	vst v2;
	v2 =	vmax.f32 v11, $0.0e+00  }
0xf9: {  	v4 =	vadd.f32 v17, v4;
	v3 =	vadd.f32 v7, v5;
	[tilespmem:$0x1C2A0] =	vst v2;
	v2 =	vmax.f32 v8, $0.0e+00  }
0xfa: {  	v1 =	vadd.f32 v14, v1;
	[tilespmem:$0x1C2B0] =	vst v2;
	v2 =	vmax.f32 v6, $0.0e+00  }
0xfb: {  	v4 =	vadd.f32 v10, v4;
	[tilespmem:$0x1C2C0] =	vst v2;
	v2 =	vmax.f32 v3, $0.0e+00  }
0xfc: {  	v1 =	vmax.f32 v1, $0.0e+00;
	[tilespmem:$0x1C2D0] =	vst v2  }
0xfd: {  	v2 =	vmax.f32 v4, $0.0e+00;
	[tilespmem:$0x1C2F0] =	vst v1  }
0xfe: {  	s29 =	simm.s32 $0x18080;
	[tilespmem:$0x1C2E0] =	vst v2  }
0xff: {  	v1 =	vld [tilespmem:s29+$0x40]  }
0x100: {  	v2 =	vld [tilespmem:s29+$0x0]  }
0x101: {  	v3 =	vld [tilespmem:s29+$0x10]  }
0x102: {  	v5 =	vld [tilespmem:s29+$0x20]  }
0x103: {  	s5 =	simm.s32 $0x2;
	s13 =	simm.s32 $0x1;
	v6 =	vld [tilespmem:s29+$0x30]  }
0x104: {  	s4 =	simm.s32 $0x0;
	s11 =	simm.s32 $0x3;
	v9 =	vmov s5;
	v12 =	vmov s13;
	v7 =	vld [tilespmem:s29+$0xFFFFFFC0]  }
0x105: {  	v11 =	vmov s11;
	v9 =	vand.u32 $0xFFFFFFFE, v9;
	v4 =	vmov s4;
	v8 =	vld [tilespmem:s29+$0xFFFFFF80]  }
0x106: {  	v12 =	vand.u32 $0xFFFFFFFD, v12;
	v18 =	vbroadcast v9, $0x0;
	v4 =	vand.u32 $0xFFFFFFFC, v4;
	v10 =	vld [tilespmem:s29+$0xFFFFFF90]  }
0x107: {  	s31 =	simm.s32 $0xC0;
	v21 =	vbroadcast v12, $0x0;
	v14 =	vld [tilespmem:s29+$0xFFFFFFA0];
	v15 =	vbroadcast v4, $0x0;
	v4 =	vimm.f32 $0.0e+00  }
0x108: {  	s11 =	sor.u32 $0x50, s31;
	v16 =	vld [tilespmem:s29+$0xFFFFFFB0];
	v12 =	vunpack.i.u.bf16.f32 v1;
	v19 =	vunpack.i.l.bf16.f32 v1;
	v26 =	vunpack.i.u.bf16.f32 v2  }
0x109: {  	s13 =	sor.u32 $0x60, s31;
	v22 =	vld [tilespmem:s11+$0x18000];
	v27 =	vunpack.i.l.bf16.f32 v2;
	v17 =	vunpack.i.u.bf16.f32 v3;
	v20 =	vunpack.i.l.bf16.f32 v3  }
0x10a: {  	v24 =	vld [tilespmem:s13+$0x18000];
	v9 =	vunpack.i.u.bf16.f32 v5;
	v13 =	vunpack.i.l.bf16.f32 v5;
	v28 =	vunpack.i.u.bf16.f32 v7  }
0x10b: {  	v1 =	vld.idx.msk [tilespmem:v11+s25+$0x0], $0xffff;
	v2 =	vunpack.i.u.bf16.f32 v6;
	v3 =	vunpack.i.l.bf16.f32 v6;
	v33 =	vunpack.i.u.bf16.f32 v8  }
0x10c: {  	s5 =	sor.u32 $0x70, s31;
	v36 =	vunpack.i.l.bf16.f32 v8;
	v30 =	vunpack.i.l.bf16.f32 v7;
	v37 =	vunpack.i.u.bf16.f32 v10  }
0x10d: {  	s4 =	simm.s32 $0x40;
	v5 =	vld [tilespmem:s5+$0x18000];
	v40 =	vunpack.i.l.bf16.f32 v10;
	v34 =	vunpack.i.u.bf16.f32 v14;
	v39 =	vunpack.i.l.bf16.f32 v14  }
0x10e: {  	s11 =	sor.u32 $0x50, s4;
	v35 =	vunpack.i.u.bf16.f32 v16;
	v38 =	vunpack.i.l.bf16.f32 v16;
	v6 =	vunpack.i.u.bf16.f32 v22  }
0x10f: {  	v41 =	vld [tilespmem:s11+$0x18000];
	v7 =	vunpack.i.l.bf16.f32 v22;
	v8 =	vunpack.i.u.bf16.f32 v24;
	v11 =	vunpack.i.l.bf16.f32 v24  }
0x110: {  	v16 =	vimm.f32 $0.0e+00;
	v32 =	vld.idx.msk [tilespmem:v15+s25+$0x0], $0xffff;
	v25 =	vmul.f32 v19, v1;
	v23 =	vmul.f32 v12, v1  }
0x111: {  	s13 =	sor.u32 $0x60, s4;
	v15 =	vld.idx.msk [tilespmem:v18+s25+$0x0], $0xffff;
	v18 =	vimm.f32 $0.0e+00;
	v24 =	vmul.f32 v7, v1;
	v22 =	vmul.f32 v6, v1  }
0x112: {  	s4 =	sor.u32 $0x70, s4;
	v31 =	vld [tilespmem:s13+$0x18000];
	v10 =	vunpack.i.u.bf16.f32 v5;
	v11 =	vmul.f32 v11, v1;
	v12 =	vmul.f32 v8, v1  }
0x113: {  	v29 =	vld [tilespmem:s4+$0x18000];
	v14 =	vunpack.i.l.bf16.f32 v5;
	v19 =	vimm.f32 $0.0e+00;
	v5 =	vimm.f32 $0.0e+00  }
0x114: {  	v21 =	vld.idx.msk [tilespmem:v21+s25+$0x0], $0xffff;
	s11 =	simm.s32 $0x4;
	v8 =	vimm.f32 $0.0e+00;
	v6 =	vimm.f32 $0.0e+00;
	v7 =	vimm.f32 $0.0e+00  }
.LBB2_7:
0x115: {  	p0 =	slt.u32 s11, $0x7C;
	v36 =	vmul.f32 v36, v32;
	v33 =	vmul.f32 v33, v32;
	v42 =	vunpack.i.u.bf16.f32 v41  }
0x116: {  	v40 =	vmul.f32 v40, v32;
	v37 =	vmul.f32 v37, v32;
	v41 =	vunpack.i.l.bf16.f32 v41  }
0x117: {  	v39 =	vmul.f32 v39, v32;
	v34 =	vmul.f32 v34, v32;
	v43 =	vunpack.i.u.bf16.f32 v31  }
0x118: {  	v38 =	vmul.f32 v38, v32;
	v32 =	vmul.f32 v35, v32;
	v31 =	vunpack.i.l.bf16.f32 v31  }
0x119: {  	v35 =	vunpack.i.u.bf16.f32 v29;
	v27 =	vmul.f32 v27, v15;
	v26 =	vmul.f32 v26, v15  }
0x11a: {  	v29 =	vunpack.i.l.bf16.f32 v29;
	v30 =	vmul.f32 v30, v21;
	v28 =	vmul.f32 v28, v21  }
0x11b: {  	v4 =	vadd.f32 v36, v4;
	v19 =	vadd.f32 v33, v19;
	v33 =	vmul.f32 v41, v21  }
0x11c: {  	v18 =	vadd.f32 v40, v18;
	v16 =	vadd.f32 v37, v16;
	v36 =	vmul.f32 v42, v21  }
0x11d: {  	v20 =	vmul.f32 v20, v15;
	v4 =	vadd.f32 v30, v4;
	v19 =	vadd.f32 v28, v19  }
0x11e: {  	v17 =	vmul.f32 v17, v15;
	v18 =	vadd.f32 v33, v18;
	v16 =	vadd.f32 v36, v16  }
0x11f: {  	v13 =	vmul.f32 v13, v15;
	v4 =	vadd.f32 v27, v4;
	v19 =	vadd.f32 v26, v19  }
0x120: {  	v9 =	vmul.f32 v9, v15;
	v18 =	vadd.f32 v20, v18;
	v16 =	vadd.f32 v17, v16  }
0x121: {  	v17 =	vmul.f32 v31, v21;
	v4 =	vadd.f32 v25, v4;
	v19 =	vadd.f32 v23, v19  }
0x122: {  	v20 =	vmul.f32 v43, v21;
	v18 =	vadd.f32 v24, v18;
	v16 =	vadd.f32 v22, v16  }
0x123: {  	s29 =	sadd.s32 $0x100, s29;
	v5 =	vadd.f32 v39, v5;
	v8 =	vadd.f32 v34, v8;
	v22 =	vmul.f32 v29, v21  }
0x124: {  	v6 =	vadd.f32 v38, v6;
	v7 =	vadd.f32 v32, v7;
	v21 =	vmul.f32 v35, v21;
	v23 =	vld [tilespmem:s29+$0x40]  }
0x125: {  	v3 =	vmul.f32 v3, v15;
	v5 =	vadd.f32 v17, v5;
	v8 =	vadd.f32 v20, v8;
	v24 =	vld [tilespmem:s29+$0x0]  }
0x126: {  	v2 =	vmul.f32 v2, v15;
	v6 =	vadd.f32 v22, v6;
	v7 =	vadd.f32 v21, v7;
	v20 =	vld [tilespmem:s29+$0x10]  }
0x127: {  	v5 =	vadd.f32 v13, v5;
	v8 =	vadd.f32 v9, v8;
	v9 =	vmul.f32 v14, v1;
	v15 =	vld [tilespmem:s29+$0x20]  }
0x128: {  	v1 =	vmul.f32 v10, v1;
	v3 =	vadd.f32 v3, v6;
	v2 =	vadd.f32 v2, v7;
	v14 =	vld [tilespmem:s29+$0x30]  }
0x129: {  	v5 =	vadd.f32 v11, v5;
	v8 =	vadd.f32 v12, v8;
	v10 =	vld [tilespmem:s29+$0xFFFFFFC0]  }
0x12a: {  	s4 =	sadd.s32 $0x2, s11;
	s5 =	sadd.s32 $0x3, s11;
	v6 =	vadd.f32 v9, v3;
	v7 =	vadd.f32 v1, v2;
	v11 =	vld [tilespmem:s29+$0xFFFFFF80]  }
0x12b: {  	s13 =	sadd.s32 $0x1, s11;
	v1 =	vmov s11;
	v2 =	vmov s4;
	v3 =	vmov s5;
	v12 =	vld [tilespmem:s29+$0xFFFFFF90]  }
0x12c: {  	s31 =	sadd.s32 $0x100, s31;
	v9 =	vmov s13;
	v1 =	vand.u32 $0xFFFFFFFC, v1;
	v2 =	vand.u32 $0xFFFFFFFE, v2;
	v21 =	vld [tilespmem:s29+$0xFFFFFFA0]  }
0x12d: {  	s4 =	sor.u32 $0x50, s31;
	v22 =	vbroadcast v1, $0x0;
	v1 =	vand.u32 $0xFFFFFFFD, v9;
	v42 =	vbroadcast v2, $0x0;
	v25 =	vld [tilespmem:s29+$0xFFFFFFB0]  }
0x12e: {  	v43 =	vbroadcast v1, $0x0;
	v44 =	vunpack.i.u.bf16.f32 v23;
	v23 =	vunpack.i.l.bf16.f32 v23;
	v29 =	vld [tilespmem:s4+$0x18000];
	s4 =	sor.u32 $0x60, s31  }
0x12f: {  	v26 =	vunpack.i.u.bf16.f32 v24;
	v27 =	vunpack.i.l.bf16.f32 v24;
	v17 =	vunpack.i.u.bf16.f32 v20;
	v24 =	vld [tilespmem:s4+$0x18000]  }
0x130: {  	v20 =	vunpack.i.l.bf16.f32 v20;
	v9 =	vunpack.i.u.bf16.f32 v15;
	v13 =	vunpack.i.l.bf16.f32 v15;
	v1 =	vld.idx.msk [tilespmem:v3+s25+$0x0], $0xffff  }
0x131: {  	v2 =	vunpack.i.u.bf16.f32 v14;
	v28 =	vunpack.i.u.bf16.f32 v10;
	s4 =	sor.u32 $0x70, s31;
	v3 =	vunpack.i.l.bf16.f32 v14  }
0x132: {  	s5 =	sadd.s32 $0xFFFFFF80, s31;
	v30 =	vunpack.i.l.bf16.f32 v10;
	v33 =	vunpack.i.u.bf16.f32 v11;
	v36 =	vunpack.i.l.bf16.f32 v11;
	v14 =	vld [tilespmem:s4+$0x18000]  }
0x133: {  	v37 =	vunpack.i.u.bf16.f32 v12;
	v40 =	vunpack.i.l.bf16.f32 v12;
	v34 =	vunpack.i.u.bf16.f32 v21;
	s4 =	sor.u32 $0x50, s5;
	v32 =	vld.idx.msk [tilespmem:v22+s25+$0x0], $0xffff  }
.Ltmp2:
0x134: {  	v39 =	vunpack.i.l.bf16.f32 v21;
	v35 =	vunpack.i.u.bf16.f32 v25;
	v38 =	vunpack.i.l.bf16.f32 v25;
	v41 =	vld [tilespmem:s4+$0x18000];
	s4 =	sor.u32 $0x60, s5;
	(pc) =	sbr.rel @p0 .LBB2_7-.Ltmp2, $4  }
0x135: {  	v10 =	vunpack.i.u.bf16.f32 v29;
	v11 =	vunpack.i.l.bf16.f32 v29;
	v12 =	vunpack.i.u.bf16.f32 v24;
	v31 =	vld [tilespmem:s4+$0x18000];
	s4 =	sor.u32 $0x70, s5  }
0x136: {  	v25 =	vmul.f32 v23, v1;
	v23 =	vmul.f32 v44, v1;
	v44 =	vunpack.i.l.bf16.f32 v24;
	v29 =	vld [tilespmem:s4+$0x18000]  }
0x137: {  	v24 =	vmul.f32 v11, v1;
	v22 =	vmul.f32 v10, v1;
	v15 =	vld.idx.msk [tilespmem:v42+s25+$0x0], $0xffff;
	v10 =	vunpack.i.u.bf16.f32 v14  }
0x138: {  	s11 =	sadd.s32 $0x4, s11;
	v12 =	vmul.f32 v12, v1;
	v11 =	vmul.f32 v44, v1;
	v14 =	vunpack.i.l.bf16.f32 v14;
	v21 =	vld.idx.msk [tilespmem:v43+s25+$0x0], $0xffff  }
0x139: {  	v42 =	vmov s1  }
0x13a: {  	v36 =	vmul.f32 v36, v32;
	v33 =	vmul.f32 v33, v32  }
0x13b: {  	v43 =	vunpack.i.u.bf16.f32 v41;
	v40 =	vmul.f32 v40, v32;
	v37 =	vmul.f32 v37, v32  }
0x13c: {  	v57 =	vunpack.i.l.bf16.f32 v41;
	v39 =	vmul.f32 v39, v32;
	v34 =	vmul.f32 v34, v32  }
0x13d: {  	v38 =	vmul.f32 v38, v32;
	v32 =	vmul.f32 v35, v32;
	v58 =	vor.u32 $0x10, v0  }
0x13e: {  	v59 =	vor.u32 $0x20, v0;
	v60 =	vor.u32 $0x30, v0;
	v62 =	vor.u32 $0x40, v0;
	v42 =	vld.idx.msk [tilespmem:v42+s16+$0x0], $0xffff  }
0x13f: {  	v45 =	vor.u32 $0x50, v0;
	v48 =	vor.u32 $0x60, v0;
	v53 =	vor.u32 $0x70, v0  }
0x140: {  	v49 =	vunpack.i.u.bf16.f32 v31;
	v4 =	vadd.f32 v36, v4;
	v33 =	vadd.f32 v33, v19  }
0x141: {  	v51 =	vunpack.i.l.bf16.f32 v31;
	v18 =	vadd.f32 v40, v18;
	v16 =	vadd.f32 v37, v16  }
0x142: {  	v54 =	vunpack.i.u.bf16.f32 v29;
	v56 =	vunpack.i.l.bf16.f32 v29;
	v5 =	vadd.f32 v39, v5  }
0x143: {  	v63 =	vld [tilespmem:$0x1C0A0];
	v27 =	vmul.f32 v27, v15;
	v26 =	vmul.f32 v26, v15;
	v42 =	vshll.u32 v42, $0x7  }
0x144: {  	v46 =	vld [tilespmem:$0x1C0B0];
	v20 =	vmul.f32 v20, v15;
	v17 =	vmul.f32 v17, v15;
	v35 =	vor.u32 v58, v42  }
0x145: {  	v50 =	vld [tilespmem:$0x1C0C0];
	v8 =	vadd.f32 v34, v8;
	v13 =	vmul.f32 v13, v15;
	v3 =	vmul.f32 v3, v15  }
0x146: {  	v55 =	vld [tilespmem:$0x1C0D0];
	v6 =	vadd.f32 v38, v6;
	v30 =	vmul.f32 v30, v21;
	v28 =	vmul.f32 v28, v21  }
0x147: {  	v19 =	vld [tilespmem:$0x1C180];
	v7 =	vadd.f32 v32, v7;
	v41 =	vmul.f32 v57, v21;
	v43 =	vmul.f32 v43, v21  }
0x148: {  	v40 =	vld [tilespmem:$0x1C080];
	v31 =	vmul.f32 v51, v21;
	v29 =	vmul.f32 v56, v21;
	v44 =	vor.u32 v0, v42  }
0x149: {  	v4 =	vadd.f32 v30, v4;
	v28 =	vadd.f32 v28, v33;
	v61 =	vld.idx.msk [tilespmem:v35+s17+$0x0], $0xffff;
	v35 =	vor.u32 v62, v42  }
0x14a: {  	v57 =	vld [tilespmem:$0x1C0E0];
	v18 =	vadd.f32 v41, v18;
	v16 =	vadd.f32 v43, v16;
	v36 =	vor.u32 v59, v42  }
0x14b: {  	v30 =	vld [tilespmem:$0x1C090];
	v43 =	vmul.f32 v49, v21;
	v5 =	vadd.f32 v31, v5;
	v47 =	vor.u32 v45, v42  }
0x14c: {  	v6 =	vadd.f32 v29, v6;
	v18 =	vadd.f32 v20, v18;
	v20 =	vor.u32 v48, v42;
	v59 =	vld [tilespmem:$0x1C0F0]  }
0x14d: {  	v4 =	vadd.f32 v27, v4;
	v26 =	vadd.f32 v26, v28;
	v37 =	vld.idx.msk [tilespmem:v44+s17+$0x0], $0xffff;
	v44 =	vor.u32 v60, v42  }
0x14e: {  	v16 =	vadd.f32 v17, v16;
	v8 =	vadd.f32 v43, v8;
	v52 =	vld.idx.msk [tilespmem:v35+s17+$0x0], $0xffff;
	v35 =	vor.u32 v53, v42  }
0x14f: {  	v9 =	vmul.f32 v9, v15;
	v5 =	vadd.f32 v13, v5;
	v3 =	vadd.f32 v3, v6;
	v36 =	vld.idx.msk [tilespmem:v36+s17+$0x0], $0xffff  }
0x150: {  	v4 =	vadd.f32 v25, v4;
	v23 =	vadd.f32 v23, v26;
	v58 =	vmul.f32 v54, v21;
	v28 =	vld.idx.msk [tilespmem:v47+s17+$0x0], $0xffff  }
0x151: {  	p0 =	sgt.u32 s1, $0x17;
	v18 =	vadd.f32 v24, v18;
	v8 =	vadd.f32 v9, v8;
	v20 =	vld.idx.msk [tilespmem:v20+s17+$0x0], $0xffff  }
0x152: {  	s4 =	sadd.s32 @!p0 $0x5, s24;
	v2 =	vmul.f32 v2, v15;
	v16 =	vadd.f32 v22, v16;
	v7 =	vadd.f32 v58, v7;
	v17 =	vld.idx.msk [tilespmem:v44+s17+$0x0], $0xffff  }
0x153: {  	s5 =	sshll.u32 @!p0 s1, $0x8;
	v9 =	vmul.f32 v14, v1;
	v5 =	vadd.f32 v11, v5;
	v6 =	vadd.f32 v12, v8;
	v60 =	vld.idx.msk [tilespmem:v35+s17+$0x0], $0xffff;
	_ =	swait.ge @!p0 [sflag:s4], $0x5000  }
0x154: {  	s5 =	sand.u32 @!p0 $0x3FFFFF00, s5;
	v1 =	vmul.f32 v10, v1;
	v8 =	vsub.f32 $1.000000000e+00, v19;
	v2 =	vadd.f32 v2, v7;
	[sflag:s4] =	ssyncset.done @!p0 $0x0  }
0x155: {  	s11 =	simm.s32 @!p0 $0x50;
	v5 =	vadd.f32 v50, v5;
	v6 =	vadd.f32 v55, v6;
	[sflag:s4] =	ssyncadd.s32 @!p0 $0xFFFFB000;
	s4 =	sadd.s32 @!p0 $0x800, s5  }
0x156: {  	v7 =	vadd.f32 v9, v3;
	v1 =	vadd.f32 v1, v2;
	[tilespmem:s26], [sflag:s9] =	stream.indirect.gather @!p0 [hbm4b:s2+s11], $0x80, s4, s11, $0xb8;
	[tilespmem:$0x1C300] =	vst v63  }
0x157: {  	v9 =	vadd.f32 v40, v4;
	v2 =	vadd.f32 v30, v23;
	v3 =	vmul.f32 v61, v8;
	s5 =	sadd.s32 @!p0 $0x880, s5;
	s4 =	sadd.s32 @!p0 $0x4800, s10  }
0x158: {  	v4 =	vadd.f32 v63, v18;
	v1 =	vadd.f32 v59, v1;
	[tilespmem:s4], [sflag:s9] =	stream.indirect.gather @!p0 [hbm4b:s2+s11], $0x80, s5, s11, $0xb8;
	v12 =	vmul.f32 v60, v8;
	[tilespmem:$0x1C300] =	vst v63  }
0x159: {  	v7 =	vadd.f32 v57, v7;
	v11 =	vmul.f32 v36, v8;
	v2 =	vadd.f32 v3, v2;
	v10 =	vld [tilespmem:s8+$0xF0]  }
0x15a: {  	v3 =	vadd.f32 v46, v16;
	v14 =	vmul.f32 v17, v8;
	v13 =	vld [tilespmem:s8+$0xFFFFFF10];
	v1 =	vadd.f32 v12, v1  }
0x15b: {  	v61 =	vmul.f32 v28, v8;
	v16 =	vmul.f32 v37, v8;
	v4 =	vadd.f32 v11, v4;
	v15 =	vld [tilespmem:s8+$0xFFFFFF20]  }
0x15c: {  	v11 =	vld [tilespmem:s8+$0xFFFFFF30];
	v12 =	vadd.f32 v14, v3;
	v14 =	vmul.f32 v52, v8;
	v1 =	vmul.f32 v1, v19  }
0x15d: {  	v6 =	vadd.f32 v61, v6;
	v2 =	vmul.f32 v2, v19;
	v17 =	vld [tilespmem:s8+$0xFFFFFF40];
	v3 =	vmul.f32 v4, v19  }
0x15e: {  	v62 =	vld [tilespmem:s8+$0xFFFFFF50];
	v8 =	vmul.f32 v20, v8;
	v5 =	vadd.f32 v14, v5;
	v10 =	vadd.f32 v10, v1  }
0x15f: {  	v9 =	vadd.f32 v16, v9;
	v14 =	vld [tilespmem:s8+$0xFFFFFF60];
	v4 =	vmul.f32 v12, v19;
	v13 =	vadd.f32 v13, v2  }
0x160: {  	v63 =	vld [tilespmem:s8+$0xFFFFFF80];
	v8 =	vadd.f32 v8, v7;
	v5 =	vmul.f32 v5, v19;
	v15 =	vadd.f32 v15, v3;
	[tilespmem:s8+$0xF0] =	vst v10  }
0x161: {  	v6 =	vmul.f32 v6, v19;
	v12 =	vld [tilespmem:s8+$0xFFFFFF70];
	v11 =	vadd.f32 v11, v4;
	[tilespmem:s8+$0xFFFFFF10] =	vst v13  }
0x162: {  	v7 =	vmul.f32 v9, v19;
	v8 =	vmul.f32 v8, v19;
	v10 =	vld [tilespmem:s8+$0xFFFFFF90];
	[tilespmem:s8+$0xFFFFFF20] =	vst v15;
	v9 =	vadd.f32 v17, v5  }
0x163: {  	v13 =	vld [tilespmem:s8+$0xFFFFFFA0];
	[tilespmem:s8+$0xFFFFFF30] =	vst v11;
	v11 =	vadd.f32 v62, v6  }
0x164: {  	v15 =	vld [tilespmem:s8+$0xFFFFFFB0];
	v14 =	vadd.f32 v14, v8;
	[tilespmem:s8+$0xFFFFFF40] =	vst v9  }
0x165: {  	v16 =	vld [tilespmem:s8+$0xFFFFFFC0];
	v9 =	vadd.f32 v63, v7;
	[tilespmem:s8+$0xFFFFFF50] =	vst v11  }
0x166: {  	v12 =	vadd.f32 v12, v1;
	v11 =	vld [tilespmem:s8+$0xFFFFFFE0];
	[tilespmem:s8+$0xFFFFFF60] =	vst v14  }
0x167: {  	v17 =	vld [tilespmem:s8+$0xFFFFFFD0];
	[tilespmem:s8+$0xFFFFFF80] =	vst v9;
	v9 =	vadd.f32 v10, v2  }
0x168: {  	[tilespmem:s8+$0xFFFFFF70] =	vst v12;
	v10 =	vld [tilespmem:s8+$0xFFFFFFF0];
	v12 =	vadd.f32 v13, v3  }
0x169: {  	v13 =	vld [tilespmem:s8+$0x0];
	[tilespmem:s8+$0xFFFFFF90] =	vst v9;
	v9 =	vadd.f32 v15, v4  }
0x16a: {  	v14 =	vld [tilespmem:s8+$0x10];
	[tilespmem:s8+$0xFFFFFFA0] =	vst v12;
	v12 =	vadd.f32 v16, v5  }
0x16b: {  	v15 =	vld [tilespmem:s8+$0x20];
	v11 =	vadd.f32 v11, v8;
	[tilespmem:s8+$0xFFFFFFB0] =	vst v9  }
0x16c: {  	v16 =	vld [tilespmem:s8+$0x30];
	v9 =	vadd.f32 v17, v6;
	[tilespmem:s8+$0xFFFFFFC0] =	vst v12  }
0x16d: {  	v12 =	vld [tilespmem:s8+$0x40];
	[tilespmem:s8+$0xFFFFFFE0] =	vst v11;
	v10 =	vadd.f32 v10, v1  }
0x16e: {  	[tilespmem:s8+$0xFFFFFFD0] =	vst v9;
	v9 =	vadd.f32 v13, v7;
	v13 =	vld [tilespmem:s8+$0x50]  }
0x16f: {  	v14 =	vadd.f32 v14, v2;
	v11 =	vld [tilespmem:s8+$0x60];
	[tilespmem:s8+$0xFFFFFFF0] =	vst v10  }
0x170: {  	v10 =	vld [tilespmem:s8+$0x70];
	[tilespmem:s8+$0x0] =	vst v9;
	v9 =	vadd.f32 v15, v3  }
0x171: {  	[tilespmem:s8+$0x10] =	vst v14;
	v14 =	vadd.f32 v16, v4;
	v15 =	vld [tilespmem:s8+$0x80]  }
0x172: {  	v16 =	vld [tilespmem:s8+$0x90];
	[tilespmem:s8+$0x20] =	vst v9;
	v9 =	vadd.f32 v12, v5  }
0x173: {  	v17 =	vld [tilespmem:s8+$0xA0];
	[tilespmem:s8+$0x30] =	vst v14;
	v12 =	vadd.f32 v13, v6  }
0x174: {  	v11 =	vadd.f32 v11, v8;
	[tilespmem:s8+$0x40] =	vst v9;
	v9 =	vld [tilespmem:s8+$0xB0]  }
0x175: {  	[tilespmem:s8+$0x50] =	vst v12;
	v12 =	vadd.f32 v10, v1;
	v10 =	vld [tilespmem:s8+$0xC0]  }
0x176: {  	[tilespmem:s8+$0x60] =	vst v11;
	v11 =	vld [tilespmem:s8+$0xD0];
	v15 =	vadd.f32 v15, v7  }
0x177: {  	v14 =	vadd.f32 v16, v2;
	[tilespmem:s8+$0x70] =	vst v12;
	v12 =	vld [tilespmem:s8+$0xE0]  }
0x178: {  	s10 =	sadd.s32 $0x200, s8;
	s9 =	simm.s32 $0x0;
	v13 =	vld [tilespmem:s8+$0xFFFFFF00];
	[tilespmem:s8+$0x80] =	vst v15;
	v15 =	vadd.f32 v17, v3  }
.LBB2_9:
0x179: {  	v16 =	vld [tilespmem:s10+$0xF0];
	s9 =	sadd.s32 $0x4, s9;
	[tilespmem:s8+$0x90] =	vst v14;
	v9 =	vadd.f32 v9, v4  }
0x17a: {  	v14 =	vld [tilespmem:s10+$0xFFFFFF10];
	p0 =	slt.u32 s9, $0x9C;
	[tilespmem:s8+$0xA0] =	vst v15;
	v10 =	vadd.f32 v10, v5  }
0x17b: {  	v15 =	vld [tilespmem:s10+$0xFFFFFF20];
	[tilespmem:s8+$0xB0] =	vst v9;
	v9 =	vadd.f32 v11, v6  }
0x17c: {  	v11 =	vld [tilespmem:s10+$0xFFFFFF30];
	[tilespmem:s8+$0xC0] =	vst v10;
	v10 =	vadd.f32 v12, v8  }
0x17d: {  	v12 =	vld [tilespmem:s10+$0xFFFFFF40];
	v13 =	vadd.f32 v13, v7;
	[tilespmem:s8+$0xD0] =	vst v9  }
0x17e: {  	v9 =	vld [tilespmem:s10+$0xFFFFFF50];
	v16 =	vadd.f32 v16, v1;
	[tilespmem:s8+$0xE0] =	vst v10  }
0x17f: {  	v10 =	vadd.f32 v14, v2;
	v14 =	vld [tilespmem:s10+$0xFFFFFF60];
	[tilespmem:s8+$0xFFFFFF00] =	vst v13;
	s8 =	smov.u32 s10  }
0x180: {  	v13 =	vadd.f32 v15, v3;
	v15 =	vld [tilespmem:s10+$0xFFFFFF70];
	[tilespmem:s10+$0xF0] =	vst v16  }
0x181: {  	[tilespmem:s10+$0xFFFFFF10] =	vst v10;
	v10 =	vadd.f32 v11, v4;
	v11 =	vld [tilespmem:s10+$0xFFFFFF80]  }
0x182: {  	[tilespmem:s10+$0xFFFFFF20] =	vst v13;
	v12 =	vadd.f32 v12, v5;
	v13 =	vld [tilespmem:s10+$0xFFFFFF90]  }
0x183: {  	[tilespmem:s10+$0xFFFFFF30] =	vst v10;
	v9 =	vadd.f32 v9, v6;
	v10 =	vld [tilespmem:s10+$0xFFFFFFA0]  }
0x184: {  	[tilespmem:s10+$0xFFFFFF40] =	vst v12;
	v12 =	vadd.f32 v14, v8;
	v14 =	vld [tilespmem:s10+$0xFFFFFFB0]  }
0x185: {  	[tilespmem:s10+$0xFFFFFF50] =	vst v9;
	v9 =	vadd.f32 v15, v1;
	v15 =	vld [tilespmem:s10+$0xFFFFFFC0]  }
0x186: {  	[tilespmem:s10+$0xFFFFFF60] =	vst v12;
	v11 =	vadd.f32 v11, v7;
	v12 =	vld [tilespmem:s10+$0xFFFFFFD0]  }
0x187: {  	[tilespmem:s10+$0xFFFFFF70] =	vst v9;
	v9 =	vadd.f32 v13, v2;
	v13 =	vld [tilespmem:s10+$0xFFFFFFE0]  }
0x188: {  	[tilespmem:s10+$0xFFFFFF80] =	vst v11;
	v10 =	vadd.f32 v10, v3;
	v11 =	vld [tilespmem:s10+$0xFFFFFFF0]  }
0x189: {  	[tilespmem:s10+$0xFFFFFF90] =	vst v9;
	v9 =	vadd.f32 v14, v4;
	v14 =	vld [tilespmem:s10+$0x0]  }
0x18a: {  	[tilespmem:s10+$0xFFFFFFA0] =	vst v10;
	v10 =	vadd.f32 v15, v5;
	v15 =	vld [tilespmem:s10+$0x10]  }
0x18b: {  	[tilespmem:s10+$0xFFFFFFB0] =	vst v9;
	v9 =	vadd.f32 v12, v6;
	v12 =	vld [tilespmem:s10+$0x20]  }
0x18c: {  	[tilespmem:s10+$0xFFFFFFC0] =	vst v10;
	v10 =	vadd.f32 v13, v8;
	v13 =	vld [tilespmem:s10+$0x30]  }
0x18d: {  	[tilespmem:s10+$0xFFFFFFD0] =	vst v9;
	v9 =	vadd.f32 v11, v1;
	v11 =	vld [tilespmem:s10+$0x40]  }
0x18e: {  	[tilespmem:s10+$0xFFFFFFE0] =	vst v10;
	v10 =	vadd.f32 v14, v7;
	v14 =	vld [tilespmem:s10+$0x50]  }
0x18f: {  	[tilespmem:s10+$0xFFFFFFF0] =	vst v9;
	v9 =	vadd.f32 v15, v2;
	v15 =	vld [tilespmem:s10+$0x60]  }
0x190: {  	[tilespmem:s10+$0x0] =	vst v10;
	v10 =	vadd.f32 v12, v3;
	v12 =	vld [tilespmem:s10+$0x70]  }
0x191: {  	[tilespmem:s10+$0x10] =	vst v9;
	v9 =	vadd.f32 v13, v4;
	v13 =	vld [tilespmem:s10+$0x80]  }
0x192: {  	[tilespmem:s10+$0x20] =	vst v10;
	v10 =	vadd.f32 v11, v5;
	v16 =	vld [tilespmem:s10+$0x90]  }
0x193: {  	[tilespmem:s10+$0x30] =	vst v9;
	v11 =	vadd.f32 v14, v6;
	v17 =	vld [tilespmem:s10+$0xA0]  }
.Ltmp3:
0x194: {  	[tilespmem:s10+$0x40] =	vst v10;
	v14 =	vadd.f32 v15, v8;
	v9 =	vld [tilespmem:s10+$0xB0];
	(pc) =	sbr.rel @p0 .LBB2_9-.Ltmp3, $4  }
0x195: {  	[tilespmem:s10+$0x50] =	vst v11;
	v12 =	vadd.f32 v12, v1;
	v10 =	vld [tilespmem:s10+$0xC0]  }
0x196: {  	[tilespmem:s10+$0x60] =	vst v14;
	v15 =	vadd.f32 v13, v7;
	v11 =	vld [tilespmem:s10+$0xD0]  }
0x197: {  	[tilespmem:s10+$0x70] =	vst v12;
	v14 =	vadd.f32 v16, v2;
	v12 =	vld [tilespmem:s10+$0xE0]  }
0x198: {  	s10 =	sadd.s32 $0x200, s10;
	v13 =	vld [tilespmem:s8+$0xFFFFFF00];
	[tilespmem:s8+$0x80] =	vst v15;
	v15 =	vadd.f32 v17, v3  }
0x199: {  	[tilespmem:s8+$0x90] =	vst v14;
	v1 =	vadd.f32 v9, v4  }
0x19a: {  	s4 =	sadd.s32 s12, s1;
	s1 =	sadd.s32 $0x1, s1;
	[tilespmem:s8+$0xA0] =	vst v15;
	v2 =	vadd.f32 v10, v5  }
0x19b: {  	p0 =	sne.s32 s1, $0x20;
	[tilespmem:s8+$0xB0] =	vst v1;
	v1 =	vadd.f32 v11, v6  }
.Ltmp4:
0x19c: {  	[tilespmem:s8+$0xC0] =	vst v2;
	v2 =	vadd.f32 v12, v8;
	(pc) =	sbr.rel @p0 .LBB2_2-.Ltmp4, $4  }
0x19d: {  	s4 =	smul.u32 $0xA00, s4;
	v3 =	vadd.f32 v13, v7;
	[tilespmem:s8+$0xD0] =	vst v1  }
0x19e: {  	[tilespmem:s8+$0xE0] =	vst v2  }
0x19f: {  	s5 =	sadd.s32 $0x5, s24;
	s20 =	sadd.s32 $0x1, s20;
	s4 =	sadd.s32 s6, s4;
	[tilespmem:s8+$0xFFFFFF00] =	vst v3  }
0x1a0: {  	[hbm4b:s4+s7] =	stream.linear.scatter [tilespmem:s26], [sflag:s5], $0x5000, $0x38;
	[tilespmem:$0x1C300] =	vst v63  }
0x1a1: {  	_ =	swait.ge [sflag:s28], $0x5000  }
0x1a2: {  	[sflag:s28] =	ssyncset.done $0x0  }
0x1a3: {  	[sflag:s28] =	ssyncadd.s32 $0xFFFFB000  }
0x1a4: {  	_ =	swait.ge [sflag:s30], $0x5000  }
0x1a5: {  	[sflag:s30] =	ssyncset.done $0x0  }
0x1a6: {  	s18 =	sadd.s32 $0x1, s18;
	[sflag:s30] =	ssyncadd.s32 $0xFFFFB000  }
0x1a7: {  	p0 =	sne.s32 s18, s14;
	_ =	swait.ge [sflag:s0], $0x5000  }
.Ltmp5:
0x1a8: {  	[sflag:s0] =	ssyncset.done $0x0;
	(pc) =	sbr.rel @p0 .LBB2_1-.Ltmp5, $4  }
0x1a9: {  	[sflag:s0] =	ssyncadd.s32 $0xFFFFB000  }
0x1aa: {  	_ =	swait.ge [sflag:s3], $0x5000  }
0x1ab: {  	[sflag:s3] =	ssyncset.done $0x0  }
0x1ac: {  	[sflag:s3] =	ssyncadd.s32 $0xFFFFB000  }
0x1ad: {  	_ =	sfence.sel $0x180000  }
0x1ae: {  	[bflag:$0x0] =	sbarrier.arrive $0xFFFF  }
0x1af: {  	_ =	strace $0x90000047  }
0x1b0: {  	s0 =	stileid.u32;
	[bflag:$0x2] =	sbarrier.arrive $0xFFFF  }
0x1b1: {  	p0 =	sne.s32 s0, $0x0;
	s0 =	rddreg [dreg:$0x6]  }
0x1b2: {  	s0 =	sadd.s32 @!p0 $0x100000, s0  }
0x1b3: {  	[sflag:s0] =	ssyncadd.tile.s32 @!p0 $0x1;
	_ =	shalt  }
.Lfunc_end2:
_tile_overlayer_lowered:
.L_overlay_start_2:
0x1b4: {  	(tag) =	ssettag $0x2  }
0x1b5: {  	s0 =	rddreg [dreg:$0x0];
	s2 =	stileid.u32  }
0x1b6: {  	s1 =	rddreg [dreg:$0x1];
	p0 =	sne.s32 s2, $0x0  }
0x1b7: {  	s3 =	rddreg [dreg:$0x2];
	[bflag:$0x3] =	sbarrier.arrive $0xFFFF;
	s2 =	simm.s32 @!p0 $0x1C09  }
0x1b8: {  	[timem:s3], [sflag:s2] =	dma.local @!p0 [hbm:s0], s1  }
0x1b9: {  	s0 =	simm.s32 @!p0 $0x9  }
0x1ba: {  	_ =	swait.ge @!p0 [sflag:s0], s1  }
0x1bb: {  	s1 =	ssub.s32 @!p0 $0x0, s1;
	[sflag:s0] =	ssyncset.done @!p0 $0x0  }
0x1bc: {  	[sflag:s0] =	ssyncadd.s32 @!p0 s1  }
0x1bd: {  	[bflag:$0x3] =	sbarrier.arrive $0xFFFF  }
0x1be: {  	_ =	shalt  }

</sc_bundles>
